<compile_context>
chip_gen: v7x
topology: tpu7x:2x2x1
jax: 0.10.2.dev20260603
libtpu: 0.0.44.dev20260713+nightly
codegen_flags: <defaults>
</compile_context>

<pallas_src>
import functools

import jax
import jax.numpy as jnp
from jax import lax
from jax.experimental import pallas as pl
from jax.experimental.pallas import tpu as pltpu
from jax.experimental.pallas import tpu_sc as plsc

N_NODES = 10000
N_EDGES = 320000
D = 128

NC = 2
NS = 16
NW = NC * NS

LIDX = 128
CPW0 = 80
CPW1 = 80
NIB = 8
E_PAD = NS * (CPW0 + CPW1) * LIDX
H_PAD_ROWS = 8
N_PAD = 10112


def _segment_sum_sc(h_pad, dst2d, src2d, zeros):
    mesh = plsc.VectorSubcoreMesh(core_axis_name="c", subcore_axis_name="s")
    rows_per_s = N_PAD // NS

    @functools.partial(
        pl.kernel,
        mesh=mesh,
        compiler_params=pltpu.CompilerParams(use_tc_tiling_on_sc=False),
        out_type=jax.ShapeDtypeStruct((NC, N_PAD, D), jnp.float32),
        scratch_types=[
            pltpu.VMEM((NIB, LIDX), jnp.int32),
            pltpu.VMEM((NIB, LIDX), jnp.int32),
            pltpu.VMEM((LIDX, D // 2), jnp.int32),
            pltpu.VMEM((LIDX, D // 2), jnp.int32),
            pltpu.VMEM((LIDX, D), jnp.float32),
            pltpu.VMEM_SHARED((N_PAD, D), jnp.float32),
            pltpu.SemaphoreType.DMA,
            pltpu.SemaphoreType.DMA,
        ],
    )
    def segsum(hp_hbm, dst_hbm, src_hbm, z_hbm, out_hbm,
               dst_v, src_v, rows_a, rows_b, rows_f, acc_sh, sem_a, sem_b):

        def unpack_scatter(src_rows, idx_row):
            @pl.loop(0, LIDX)
            def _(r):
                for g in range(D // 32):
                    w = src_rows[r, pl.ds(g * 16, 16)]
                    a = lax.bitcast_convert_type(
                        lax.shift_left(w, 16), jnp.float32)
                    b = lax.bitcast_convert_type(
                        lax.shift_left(lax.shift_right_logical(w, 16), 16),
                        jnp.float32)
                    rows_f[r, pl.ds(g * 16, 16)] = a
                    rows_f[r, pl.ds(D // 2 + g * 16, 16)] = b
            pltpu.sync_copy(rows_f, acc_sh.at[idx_row], add=True)
        c = lax.axis_index("c")
        s = lax.axis_index("s")
        base = lax.select(c == 0, s * CPW0, NS * CPW0 + s * CPW1)
        nph = lax.select(c == 0, CPW0 // NIB, CPW1 // NIB)
        row0 = pl.multiple_of(s * rows_per_s, 8)

        pltpu.sync_copy(z_hbm.at[pl.ds(row0, rows_per_s)],
                        acc_sh.at[pl.ds(row0, rows_per_s)])
        plsc.subcore_barrier()

        @pl.loop(0, nph)
        def _(p):
            idx0 = pl.multiple_of(base + p * NIB, 8)
            pltpu.sync_copy(dst_hbm.at[pl.ds(idx0, NIB)], dst_v)
            pltpu.sync_copy(src_hbm.at[pl.ds(idx0, NIB)], src_v)
            pltpu.async_copy(hp_hbm.at[dst_v.at[0]], rows_a, sem_a)

            @pl.loop(0, NIB, step=2)
            def _(j):
                pltpu.make_async_copy(
                    hp_hbm.at[dst_v.at[j]], rows_a, sem_a).wait()
                pltpu.async_copy(
                    hp_hbm.at[dst_v.at[lax.min(j + 1, NIB - 1)]],
                    rows_b, sem_b)
                unpack_scatter(rows_a, src_v.at[j])
                pltpu.make_async_copy(
                    hp_hbm.at[dst_v.at[j]], rows_b, sem_b).wait()
                pltpu.async_copy(
                    hp_hbm.at[dst_v.at[lax.min(j + 2, NIB - 1)]],
                    rows_a, sem_a)
                unpack_scatter(rows_b, src_v.at[j + 1])

            pltpu.make_async_copy(hp_hbm.at[dst_v.at[0]], rows_a, sem_a).wait()

        plsc.subcore_barrier()
        pltpu.sync_copy(acc_sh.at[pl.ds(row0, rows_per_s)],
                        out_hbm.at[c].at[pl.ds(row0, rows_per_s)])

    return segsum(h_pad, dst2d, src2d, zeros)


def _combine_tc(h, p0, p1, nbr_w, self_w, b2d):
    blk = 1000
    grid = N_NODES // blk

    def body(h_ref, p0_ref, p1_ref, nw_ref, sw_ref, b_ref, o_ref):
        ns = p0_ref[...] + p1_ref[...]
        nbr = jnp.tanh(
            jnp.dot(ns, nw_ref[...], preferred_element_type=jnp.float32)
            + b_ref[...])
        o_ref[...] = nbr + jnp.dot(
            h_ref[...], sw_ref[...], preferred_element_type=jnp.float32)

    return pl.pallas_call(
        body,
        grid=(grid,),
        in_specs=[
            pl.BlockSpec((blk, D), lambda i: (i, 0)),
            pl.BlockSpec((blk, D), lambda i: (i, 0)),
            pl.BlockSpec((blk, D), lambda i: (i, 0)),
            pl.BlockSpec((D, D), lambda i: (0, 0)),
            pl.BlockSpec((D, D), lambda i: (0, 0)),
            pl.BlockSpec((1, D), lambda i: (0, 0)),
        ],
        out_specs=pl.BlockSpec((blk, D), lambda i: (i, 0)),
        out_shape=jax.ShapeDtypeStruct((N_NODES, D), jnp.float32),
    )(h, p0, p1, nbr_w, self_w, b2d)


def kernel(node_feats, edge_index, nbr_w, self_w, b):
    h = node_feats
    src = edge_index[0].astype(jnp.int32)
    dst = edge_index[1].astype(jnp.int32)

    pad = E_PAD - N_EDGES
    dst_p = jnp.concatenate(
        [dst, jnp.full((pad,), N_NODES, jnp.int32)]).reshape(-1, LIDX)
    src_p = jnp.concatenate(
        [src, jnp.zeros((pad,), jnp.int32)]).reshape(-1, LIDX)
    hb = h.astype(jnp.bfloat16)
    packed = jax.lax.bitcast_convert_type(
        jnp.stack([hb[:, :D // 2], hb[:, D // 2:]], axis=-1), jnp.int32)
    h_pad = jnp.concatenate(
        [packed, jnp.zeros((H_PAD_ROWS, D // 2), jnp.int32)], axis=0)
    zeros = jnp.zeros((N_PAD, D), jnp.float32)

    parts = _segment_sum_sc(h_pad, dst_p, src_p, zeros)
    return _combine_tc(h, parts[0, :N_NODES], parts[1, :N_NODES],
                       nbr_w, self_w, b.reshape(1, D))

# --- scband reference (transcript-rebuilt; emitter-appended) ---
"""Pipeline reference for scband-gcnlayer-9457517986513 (READ-ONLY COPY).

The authoritative reference and input builder live on the scoring server;
editing this copy changes nothing except your own understanding.
"""

import jax, jax.numpy as jnp
import numpy as np

N_NODES = 10000
N_EDGES = 320000
IN_SIZE = 128
HID_SIZE = 128


def setup_inputs(seed: int = 0) -> dict:
    key = jax.random.key(seed)
    k1, k2, k3, k4, k5 = jax.random.split(key, 5)
    node_feats = jax.random.normal(k1, (N_NODES, IN_SIZE), dtype=jnp.float32)
    edge_index = jax.random.randint(k2, (2, N_EDGES), 0, N_NODES, dtype=jnp.int64)
    nbr_w = jax.random.normal(k3, (IN_SIZE, HID_SIZE), dtype=jnp.float32)
    self_w = jax.random.normal(k4, (IN_SIZE, HID_SIZE), dtype=jnp.float32)
    b = jax.random.normal(k5, (HID_SIZE,), dtype=jnp.float32)
    return {"node_feats": node_feats, "edge_index": edge_index, "nbr_w": nbr_w, "self_w": self_w, "b": b}


def reference(node_feats, edge_index, nbr_w, self_w, b):
    h = node_feats
    src = edge_index[0]
    dst = edge_index[1]
    msg = h
    nbr_features = h[dst]
    nbr_sum = jax.ops.segment_sum(nbr_features, src, num_segments=h.shape[0])
    nbr_msg = jnp.tanh(nbr_sum @ nbr_w + b)
    self_msg = msg @ self_w
    out = self_msg + nbr_msg
    return out

if __name__ == "__main__":
    import jax
    _d = setup_inputs()
    print(jax.jit(kernel)(*tuple(_d.values())))

</pallas_src>

<mosaic_0001>
#map = affine_map<(d0, d1) -> (0, 0)>
#map1 = affine_map<(d0, d1) -> (0, 0, 0)>
module attributes {stable_mosaic.version = 14 : i64} {
  func.func @segsum(%arg0: i32, %arg1: i32, %arg2: memref<10008x64xi32, #tpu.memory_space<hbm>>, %arg3: memref<2560x128xi32, #tpu.memory_space<hbm>>, %arg4: memref<2560x128xi32, #tpu.memory_space<hbm>>, %arg5: memref<10112x128xf32, #tpu.memory_space<hbm>>, %arg6: memref<2x10112x128xf32, #tpu.memory_space<hbm>>, %arg7: memref<8x128xi32, #tpu.memory_space<vmem>>, %arg8: memref<8x128xi32, #tpu.memory_space<vmem>>, %arg9: memref<128x64xi32, #tpu.memory_space<vmem>>, %arg10: memref<128x64xi32, #tpu.memory_space<vmem>>, %arg11: memref<128x128xf32, #tpu.memory_space<vmem>>, %arg12: memref<10112x128xf32, #tpu.memory_space<vmem_shared>>, %arg13: memref<!tpu.dma_semaphore, #tpu.memory_space<semaphore_mem>>, %arg14: memref<!tpu.dma_semaphore, #tpu.memory_space<semaphore_mem>>) attributes {dimension_semantics = [#tpu.dimension_semantics<core_parallel>, #tpu.dimension_semantics<subcore_parallel>], iteration_bounds = array<i64: 2, 16>, scalar_prefetch = 0 : i64, scratch_operands = 8 : i64, tpu.core_type = #tpu.core_type<sc_vector_subcore>, window_params = [{transform_indices = #map}, {transform_indices = #map}, {transform_indices = #map}, {transform_indices = #map}, {transform_indices = #map1}]} {
    %eq3A = arith.constant 0 : i32
    %eq3A_0 = arith.cmpi eq, %arg0, %eq3A : i32
    %mul3A = arith.constant 80 : i32
    %mul3A_1 = arith.muli %arg1, %mul3A : i32
    %mul3A_2 = arith.constant 80 : i32
    %mul3A_3 = arith.muli %arg1, %mul3A_2 : i32
    %add3A = arith.constant 1280 : i32
    %add3A_4 = arith.addi %add3A, %mul3A_3 : i32
    %select_n3A = arith.select %eq3A_0, %mul3A_1, %add3A_4 : i32
    %eq3A_5 = arith.constant 0 : i32
    %eq3A_6 = arith.cmpi eq, %arg0, %eq3A_5 : i32
    %select_n3A_7 = arith.constant 10 : i32
    %select_n3A_8 = arith.constant 10 : i32
    %select_n3A_9 = arith.select %eq3A_6, %select_n3A_8, %select_n3A_7 : i32
    %mul3A_10 = arith.constant 632 : i32
    %mul3A_11 = arith.muli %arg1, %mul3A_10 : i32
    %multiple_of3A = tpu.assume_multiple %mul3A_11, 8 : i32
    "tpu.region"() ({
      %run_scoped3A = tpu.sem_alloc : memref<!tpu.dma_semaphore, #tpu.memory_space<semaphore_mem>>
      %dma_start3A = arith.constant 0 : i32
      %dma_start3A_29 = tpu.memref_slice %arg12[%multiple_of3A, %dma_start3A] : memref<10112x128xf32, #tpu.memory_space<vmem_shared>> -> memref<632x128xf32, #tpu.memory_space<vmem_shared>>
      %dma_start3A_30 = arith.constant 0 : i32
      %dma_start3A_31 = tpu.memref_slice %arg5[%multiple_of3A, %dma_start3A_30] : memref<10112x128xf32, #tpu.memory_space<hbm>> -> memref<632x128xf32, #tpu.memory_space<hbm>>
      tpu.enqueue_dma source(%dma_start3A_31 : memref<632x128xf32, #tpu.memory_space<hbm>>) target(%dma_start3A_29 : memref<632x128xf32, #tpu.memory_space<vmem_shared>>) target_semaphore(%run_scoped3A : memref<!tpu.dma_semaphore, #tpu.memory_space<semaphore_mem>>)
      %dma_wait3A = arith.constant 0 : i32
      %dma_wait3A_32 = tpu.memref_slice %arg12[%multiple_of3A, %dma_wait3A] : memref<10112x128xf32, #tpu.memory_space<vmem_shared>> -> memref<632x128xf32, #tpu.memory_space<vmem_shared>>
      %dma_wait3A_33 = arith.constant 0 : i32
      %dma_wait3A_34 = tpu.memref_slice %arg5[%multiple_of3A, %dma_wait3A_33] : memref<10112x128xf32, #tpu.memory_space<hbm>> -> memref<632x128xf32, #tpu.memory_space<hbm>>
      tpu.wait_dma2 semaphore(%run_scoped3A : memref<!tpu.dma_semaphore, #tpu.memory_space<semaphore_mem>>) src(%dma_wait3A_34 : memref<632x128xf32, #tpu.memory_space<hbm>>) dst(%dma_wait3A_32 : memref<632x128xf32, #tpu.memory_space<vmem_shared>>)
      tpu.yield
    }) : () -> ()
    %barrier3A = arith.constant 0 : index
    tpu.barrier barrier_id(%barrier3A)
    %sub3A = arith.constant 0 : i32
    %sub3A_12 = arith.subi %select_n3A_9, %sub3A : i32
    %sub3A_13 = arith.constant 1 : i32
    %sub3A_14 = arith.constant 1 : i32
    %sub3A_15 = arith.subi %sub3A_13, %sub3A_14 : i32
    %add3A_16 = arith.addi %sub3A_12, %sub3A_15 : i32
    %div3A = arith.constant 1 : i32
    %div3A_17 = arith.divsi %add3A_16, %div3A : i32
    %while3A = arith.constant 1 : i32
    %while3A_18 = arith.constant 0 : i32
    %while3A_19 = arith.constant 0 : i32
    %while3A_20 = arith.subi %div3A_17, %while3A_19 : i32
    %while3A_21 = arith.addi %while3A_19, %while3A_20 : i32
    %while3A_22 = arith.constant 1 : i32
    %while3A_23 = arith.divsi %while3A_20, %while3A_22 : i32
    %while3A_24 = arith.muli %while3A_23, %while3A_22 : i32
    %while3A_25 = arith.addi %while3A_19, %while3A_24 : i32
    %while3A_26 = arith.constant 1 : i32
    scf.for %while3A_29 = %while3A_19 to %while3A_25 step %while3A_26  : i32 {
      %mul3A_30 = arith.muli %while3A_29, %while3A : i32
      %add3A_31 = arith.addi %while3A_18, %mul3A_30 : i32
      %mul3A_32 = arith.constant 8 : i32
      %mul3A_33 = arith.muli %add3A_31, %mul3A_32 : i32
      %add3A_34 = arith.addi %select_n3A, %mul3A_33 : i32
      %multiple_of3A_35 = tpu.assume_multiple %add3A_34, 8 : i32
      "tpu.region"() ({
        %run_scoped3A = tpu.sem_alloc : memref<!tpu.dma_semaphore, #tpu.memory_space<semaphore_mem>>
        %dma_start3A_52 = arith.constant 0 : i32
        %dma_start3A_53 = tpu.memref_slice %arg3[%multiple_of3A_35, %dma_start3A_52] : memref<2560x128xi32, #tpu.memory_space<hbm>> -> memref<8x128xi32, #tpu.memory_space<hbm>>
        %dma_start3A_54 = arith.constant 0 : i32
        %dma_start3A_55 = tpu.memref_slice %arg3[%multiple_of3A_35, %dma_start3A_54] : memref<2560x128xi32, #tpu.memory_space<hbm>> -> memref<8x128xi32, #tpu.memory_space<hbm>>
        tpu.enqueue_dma source(%dma_start3A_55 : memref<8x128xi32, #tpu.memory_space<hbm>>) target(%arg7 : memref<8x128xi32, #tpu.memory_space<vmem>>) target_semaphore(%run_scoped3A : memref<!tpu.dma_semaphore, #tpu.memory_space<semaphore_mem>>)
        %dma_wait3A_56 = arith.constant 0 : i32
        %dma_wait3A_57 = tpu.memref_slice %arg3[%multiple_of3A_35, %dma_wait3A_56] : memref<2560x128xi32, #tpu.memory_space<hbm>> -> memref<8x128xi32, #tpu.memory_space<hbm>>
        %dma_wait3A_58 = arith.constant 0 : i32
        %dma_wait3A_59 = tpu.memref_slice %arg3[%multiple_of3A_35, %dma_wait3A_58] : memref<2560x128xi32, #tpu.memory_space<hbm>> -> memref<8x128xi32, #tpu.memory_space<hbm>>
        tpu.wait_dma2 semaphore(%run_scoped3A : memref<!tpu.dma_semaphore, #tpu.memory_space<semaphore_mem>>) src(%dma_wait3A_59 : memref<8x128xi32, #tpu.memory_space<hbm>>) dst(%arg7 : memref<8x128xi32, #tpu.memory_space<vmem>>)
        tpu.yield
      }) : () -> ()
      "tpu.region"() ({
        %run_scoped3A = tpu.sem_alloc : memref<!tpu.dma_semaphore, #tpu.memory_space<semaphore_mem>>
        %dma_start3A_52 = arith.constant 0 : i32
        %dma_start3A_53 = tpu.memref_slice %arg4[%multiple_of3A_35, %dma_start3A_52] : memref<2560x128xi32, #tpu.memory_space<hbm>> -> memref<8x128xi32, #tpu.memory_space<hbm>>
        %dma_start3A_54 = arith.constant 0 : i32
        %dma_start3A_55 = tpu.memref_slice %arg4[%multiple_of3A_35, %dma_start3A_54] : memref<2560x128xi32, #tpu.memory_space<hbm>> -> memref<8x128xi32, #tpu.memory_space<hbm>>
        tpu.enqueue_dma source(%dma_start3A_55 : memref<8x128xi32, #tpu.memory_space<hbm>>) target(%arg8 : memref<8x128xi32, #tpu.memory_space<vmem>>) target_semaphore(%run_scoped3A : memref<!tpu.dma_semaphore, #tpu.memory_space<semaphore_mem>>)
        %dma_wait3A_56 = arith.constant 0 : i32
        %dma_wait3A_57 = tpu.memref_slice %arg4[%multiple_of3A_35, %dma_wait3A_56] : memref<2560x128xi32, #tpu.memory_space<hbm>> -> memref<8x128xi32, #tpu.memory_space<hbm>>
        %dma_wait3A_58 = arith.constant 0 : i32
        %dma_wait3A_59 = tpu.memref_slice %arg4[%multiple_of3A_35, %dma_wait3A_58] : memref<2560x128xi32, #tpu.memory_space<hbm>> -> memref<8x128xi32, #tpu.memory_space<hbm>>
        tpu.wait_dma2 semaphore(%run_scoped3A : memref<!tpu.dma_semaphore, #tpu.memory_space<semaphore_mem>>) src(%dma_wait3A_59 : memref<8x128xi32, #tpu.memory_space<hbm>>) dst(%arg8 : memref<8x128xi32, #tpu.memory_space<vmem>>)
        tpu.yield
      }) : () -> ()
      %dma_start3A = arith.constant 0 : i32
      %dma_start3A_36 = arith.constant 0 : i32
      %dma_start3A_37 = tpu.memref_slice %arg7[%dma_start3A, %dma_start3A_36] : memref<8x128xi32, #tpu.memory_space<vmem>> -> memref<1x128xi32, #tpu.memory_space<vmem>>
      %dma_start3A_38 = tpu.memref_squeeze %dma_start3A_37 : memref<1x128xi32, #tpu.memory_space<vmem>> -> memref<128xi32, #tpu.memory_space<vmem>>
      %dma_start3A_39 = arith.constant 0 : i32
      %dma_start3A_40 = arith.constant 0 : i32
      %dma_start3A_41 = tpu.memref_slice %arg2[%dma_start3A_39, %dma_start3A_40] : memref<10008x64xi32, #tpu.memory_space<hbm>> -> memref<10008x64xi32, #tpu.memory_space<hbm>>
      tpu.enqueue_indirect_dma source(%dma_start3A_41 : memref<10008x64xi32, #tpu.memory_space<hbm>>) target(%arg9 : memref<128x64xi32, #tpu.memory_space<vmem>>) offsets(%dma_start3A_38 : memref<128xi32, #tpu.memory_space<vmem>>) semaphore(%arg13 : memref<!tpu.dma_semaphore, #tpu.memory_space<semaphore_mem>>)
      %scan3A = arith.constant 0 : i32
      %scan3A_42 = arith.constant 4 : i32
      %scan3A_43 = arith.addi %scan3A, %scan3A_42 : i32
      %scan3A_44 = arith.constant 1 : i32
      scf.for %scan3A_52 = %scan3A to %scan3A_43 step %scan3A_44  : i32 {
        %mul3A_53 = arith.constant 2 : i32
        %mul3A_54 = arith.muli %scan3A_52, %mul3A_53 : i32
        %add3A_55 = arith.constant 0 : i32
        %add3A_56 = arith.addi %add3A_55, %mul3A_54 : i32
        %dma_wait3A_57 = arith.constant 0 : i32
        %dma_wait3A_58 = tpu.memref_slice %arg7[%add3A_56, %dma_wait3A_57] : memref<8x128xi32, #tpu.memory_space<vmem>> -> memref<1x128xi32, #tpu.memory_space<vmem>>
        %dma_wait3A_59 = tpu.memref_squeeze %dma_wait3A_58 : memref<1x128xi32, #tpu.memory_space<vmem>> -> memref<128xi32, #tpu.memory_space<vmem>>
        %dma_wait3A_60 = arith.constant 0 : i32
        %dma_wait3A_61 = arith.constant 0 : i32
        %dma_wait3A_62 = tpu.memref_slice %arg2[%dma_wait3A_60, %dma_wait3A_61] : memref<10008x64xi32, #tpu.memory_space<hbm>> -> memref<10008x64xi32, #tpu.memory_space<hbm>>
        tpu.wait_indirect_dma semaphore(%arg13 : memref<!tpu.dma_semaphore, #tpu.memory_space<semaphore_mem>>) src(%dma_wait3A_62 : memref<10008x64xi32, #tpu.memory_space<hbm>>) dst(%arg9 : memref<128x64xi32, #tpu.memory_space<vmem>>)
        %add3A_63 = arith.constant 1 : i32
        %add3A_64 = arith.addi %add3A_56, %add3A_63 : i32
        %min3A = arith.constant 7 : i32
        %min3A_65 = arith.minsi %add3A_64, %min3A : i32
        %dma_start3A_66 = arith.constant 0 : i32
        %dma_start3A_67 = tpu.memref_slice %arg7[%min3A_65, %dma_start3A_66] : memref<8x128xi32, #tpu.memory_space<vmem>> -> memref<1x128xi32, #tpu.memory_space<vmem>>
        %dma_start3A_68 = tpu.memref_squeeze %dma_start3A_67 : memref<1x128xi32, #tpu.memory_space<vmem>> -> memref<128xi32, #tpu.memory_space<vmem>>
        %dma_start3A_69 = arith.constant 0 : i32
        %dma_start3A_70 = arith.constant 0 : i32
        %dma_start3A_71 = tpu.memref_slice %arg2[%dma_start3A_69, %dma_start3A_70] : memref<10008x64xi32, #tpu.memory_space<hbm>> -> memref<10008x64xi32, #tpu.memory_space<hbm>>
        tpu.enqueue_indirect_dma source(%dma_start3A_71 : memref<10008x64xi32, #tpu.memory_space<hbm>>) target(%arg10 : memref<128x64xi32, #tpu.memory_space<vmem>>) offsets(%dma_start3A_68 : memref<128xi32, #tpu.memory_space<vmem>>) semaphore(%arg14 : memref<!tpu.dma_semaphore, #tpu.memory_space<semaphore_mem>>)
        %scan3A_72 = arith.constant 0 : i32
        %scan3A_73 = arith.constant 128 : i32
        %scan3A_74 = arith.addi %scan3A_72, %scan3A_73 : i32
        %scan3A_75 = arith.constant 1 : i32
        scf.for %scan3A_100 = %scan3A_72 to %scan3A_74 step %scan3A_75  : i32 {
          %mul3A_101 = arith.constant 1 : i32
          %mul3A_102 = arith.muli %scan3A_100, %mul3A_101 : i32
          %add3A_103 = arith.constant 0 : i32
          %add3A_104 = arith.addi %add3A_103, %mul3A_102 : i32
          %get3A = arith.index_cast %add3A_104 : i32 to index
          %get3A_105 = arith.constant 0 : index
          %get3A_106 = tpu.vector_load %arg9[%get3A, %get3A_105] {strides = array<i32>} : memref<128x64xi32, #tpu.memory_space<vmem>>, vector<1x16xi32>,
          %get3A_107 = vector.shape_cast %get3A_106 : vector<1x16xi32> to vector<16xi32>
          %shift_left3A = arith.constant 16 : i32
          %shift_left3A_108 = vector.broadcast %shift_left3A : i32 to vector<16xi32>
          %shift_left3A_109 = arith.shli %get3A_107, %shift_left3A_108 : vector<16xi32>
          %bitcast_convert_type3A = tpu.bitcast %shift_left3A_109 : vector<16xi32> -> vector<16xf32>
          %shift_right_logical3A = arith.constant 16 : i32
          %shift_right_logical3A_110 = vector.broadcast %shift_right_logical3A : i32 to vector<16xi32>
          %shift_right_logical3A_111 = arith.shrui %get3A_107, %shift_right_logical3A_110 : vector<16xi32>
          %shift_left3A_112 = arith.constant 16 : i32
          %shift_left3A_113 = vector.broadcast %shift_left3A_112 : i32 to vector<16xi32>
          %shift_left3A_114 = arith.shli %shift_right_logical3A_111, %shift_left3A_113 : vector<16xi32>
          %bitcast_convert_type3A_115 = tpu.bitcast %shift_left3A_114 : vector<16xi32> -> vector<16xf32>
          %swap3A = arith.index_cast %add3A_104 : i32 to index
          %swap3A_116 = arith.constant 0 : index
          %swap3A_117 = tpu.vector_load %arg11[%swap3A, %swap3A_116] {strides = array<i32>} : memref<128x128xf32, #tpu.memory_space<vmem>>, vector<1x16xf32>,
          %swap3A_118 = vector.shape_cast %swap3A_117 : vector<1x16xf32> to vector<16xf32>
          %swap3A_119 = vector.shape_cast %bitcast_convert_type3A : vector<16xf32> to vector<1x16xf32>
          tpu.vector_store %arg11[%swap3A, %swap3A_116], %swap3A_119 {strides = array<i32>} : memref<128x128xf32, #tpu.memory_space<vmem>>, vector<1x16xf32>,
          %swap3A_120 = arith.index_cast %add3A_104 : i32 to index
          %swap3A_121 = arith.constant 64 : index
          %swap3A_122 = tpu.vector_load %arg11[%swap3A_120, %swap3A_121] {strides = array<i32>} : memref<128x128xf32, #tpu.memory_space<vmem>>, vector<1x16xf32>,
          %swap3A_123 = vector.shape_cast %swap3A_122 : vector<1x16xf32> to vector<16xf32>
          %swap3A_124 = vector.shape_cast %bitcast_convert_type3A_115 : vector<16xf32> to vector<1x16xf32>
          tpu.vector_store %arg11[%swap3A_120, %swap3A_121], %swap3A_124 {strides = array<i32>} : memref<128x128xf32, #tpu.memory_space<vmem>>, vector<1x16xf32>,
          %get3A_125 = arith.index_cast %add3A_104 : i32 to index
          %get3A_126 = arith.constant 16 : index
          %get3A_127 = tpu.vector_load %arg9[%get3A_125, %get3A_126] {strides = array<i32>} : memref<128x64xi32, #tpu.memory_space<vmem>>, vector<1x16xi32>,
          %get3A_128 = vector.shape_cast %get3A_127 : vector<1x16xi32> to vector<16xi32>
          %shift_left3A_129 = arith.constant 16 : i32
          %shift_left3A_130 = vector.broadcast %shift_left3A_129 : i32 to vector<16xi32>
          %shift_left3A_131 = arith.shli %get3A_128, %shift_left3A_130 : vector<16xi32>
          %bitcast_convert_type3A_132 = tpu.bitcast %shift_left3A_131 : vector<16xi32> -> vector<16xf32>
          %shift_right_logical3A_133 = arith.constant 16 : i32
          %shift_right_logical3A_134 = vector.broadcast %shift_right_logical3A_133 : i32 to vector<16xi32>
          %shift_right_logical3A_135 = arith.shrui %get3A_128, %shift_right_logical3A_134 : vector<16xi32>
          %shift_left3A_136 = arith.constant 16 : i32
          %shift_left3A_137 = vector.broadcast %shift_left3A_136 : i32 to vector<16xi32>
          %shift_left3A_138 = arith.shli %shift_right_logical3A_135, %shift_left3A_137 : vector<16xi32>
          %bitcast_convert_type3A_139 = tpu.bitcast %shift_left3A_138 : vector<16xi32> -> vector<16xf32>
          %swap3A_140 = arith.index_cast %add3A_104 : i32 to index
          %swap3A_141 = arith.constant 16 : index
          %swap3A_142 = tpu.vector_load %arg11[%swap3A_140, %swap3A_141] {strides = array<i32>} : memref<128x128xf32, #tpu.memory_space<vmem>>, vector<1x16xf32>,
          %swap3A_143 = vector.shape_cast %swap3A_142 : vector<1x16xf32> to vector<16xf32>
          %swap3A_144 = vector.shape_cast %bitcast_convert_type3A_132 : vector<16xf32> to vector<1x16xf32>
          tpu.vector_store %arg11[%swap3A_140, %swap3A_141], %swap3A_144 {strides = array<i32>} : memref<128x128xf32, #tpu.memory_space<vmem>>, vector<1x16xf32>,
          %swap3A_145 = arith.index_cast %add3A_104 : i32 to index
          %swap3A_146 = arith.constant 80 : index
          %swap3A_147 = tpu.vector_load %arg11[%swap3A_145, %swap3A_146] {strides = array<i32>} : memref<128x128xf32, #tpu.memory_space<vmem>>, vector<1x16xf32>,
          %swap3A_148 = vector.shape_cast %swap3A_147 : vector<1x16xf32> to vector<16xf32>
          %swap3A_149 = vector.shape_cast %bitcast_convert_type3A_139 : vector<16xf32> to vector<1x16xf32>
          tpu.vector_store %arg11[%swap3A_145, %swap3A_146], %swap3A_149 {strides = array<i32>} : memref<128x128xf32, #tpu.memory_space<vmem>>, vector<1x16xf32>,
          %get3A_150 = arith.index_cast %add3A_104 : i32 to index
          %get3A_151 = arith.constant 32 : index
          %get3A_152 = tpu.vector_load %arg9[%get3A_150, %get3A_151] {strides = array<i32>} : memref<128x64xi32, #tpu.memory_space<vmem>>, vector<1x16xi32>,
          %get3A_153 = vector.shape_cast %get3A_152 : vector<1x16xi32> to vector<16xi32>
          %shift_left3A_154 = arith.constant 16 : i32
          %shift_left3A_155 = vector.broadcast %shift_left3A_154 : i32 to vector<16xi32>
          %shift_left3A_156 = arith.shli %get3A_153, %shift_left3A_155 : vector<16xi32>
          %bitcast_convert_type3A_157 = tpu.bitcast %shift_left3A_156 : vector<16xi32> -> vector<16xf32>
          %shift_right_logical3A_158 = arith.constant 16 : i32
          %shift_right_logical3A_159 = vector.broadcast %shift_right_logical3A_158 : i32 to vector<16xi32>
          %shift_right_logical3A_160 = arith.shrui %get3A_153, %shift_right_logical3A_159 : vector<16xi32>
          %shift_left3A_161 = arith.constant 16 : i32
          %shift_left3A_162 = vector.broadcast %shift_left3A_161 : i32 to vector<16xi32>
          %shift_left3A_163 = arith.shli %shift_right_logical3A_160, %shift_left3A_162 : vector<16xi32>
          %bitcast_convert_type3A_164 = tpu.bitcast %shift_left3A_163 : vector<16xi32> -> vector<16xf32>
          %swap3A_165 = arith.index_cast %add3A_104 : i32 to index
          %swap3A_166 = arith.constant 32 : index
          %swap3A_167 = tpu.vector_load %arg11[%swap3A_165, %swap3A_166] {strides = array<i32>} : memref<128x128xf32, #tpu.memory_space<vmem>>, vector<1x16xf32>,
          %swap3A_168 = vector.shape_cast %swap3A_167 : vector<1x16xf32> to vector<16xf32>
          %swap3A_169 = vector.shape_cast %bitcast_convert_type3A_157 : vector<16xf32> to vector<1x16xf32>
          tpu.vector_store %arg11[%swap3A_165, %swap3A_166], %swap3A_169 {strides = array<i32>} : memref<128x128xf32, #tpu.memory_space<vmem>>, vector<1x16xf32>,
          %swap3A_170 = arith.index_cast %add3A_104 : i32 to index
          %swap3A_171 = arith.constant 96 : index
          %swap3A_172 = tpu.vector_load %arg11[%swap3A_170, %swap3A_171] {strides = array<i32>} : memref<128x128xf32, #tpu.memory_space<vmem>>, vector<1x16xf32>,
          %swap3A_173 = vector.shape_cast %swap3A_172 : vector<1x16xf32> to vector<16xf32>
          %swap3A_174 = vector.shape_cast %bitcast_convert_type3A_164 : vector<16xf32> to vector<1x16xf32>
          tpu.vector_store %arg11[%swap3A_170, %swap3A_171], %swap3A_174 {strides = array<i32>} : memref<128x128xf32, #tpu.memory_space<vmem>>, vector<1x16xf32>,
          %get3A_175 = arith.index_cast %add3A_104 : i32 to index
          %get3A_176 = arith.constant 48 : index
          %get3A_177 = tpu.vector_load %arg9[%get3A_175, %get3A_176] {strides = array<i32>} : memref<128x64xi32, #tpu.memory_space<vmem>>, vector<1x16xi32>,
          %get3A_178 = vector.shape_cast %get3A_177 : vector<1x16xi32> to vector<16xi32>
          %shift_left3A_179 = arith.constant 16 : i32
          %shift_left3A_180 = vector.broadcast %shift_left3A_179 : i32 to vector<16xi32>
          %shift_left3A_181 = arith.shli %get3A_178, %shift_left3A_180 : vector<16xi32>
          %bitcast_convert_type3A_182 = tpu.bitcast %shift_left3A_181 : vector<16xi32> -> vector<16xf32>
          %shift_right_logical3A_183 = arith.constant 16 : i32
          %shift_right_logical3A_184 = vector.broadcast %shift_right_logical3A_183 : i32 to vector<16xi32>
          %shift_right_logical3A_185 = arith.shrui %get3A_178, %shift_right_logical3A_184 : vector<16xi32>
          %shift_left3A_186 = arith.constant 16 : i32
          %shift_left3A_187 = vector.broadcast %shift_left3A_186 : i32 to vector<16xi32>
          %shift_left3A_188 = arith.shli %shift_right_logical3A_185, %shift_left3A_187 : vector<16xi32>
          %bitcast_convert_type3A_189 = tpu.bitcast %shift_left3A_188 : vector<16xi32> -> vector<16xf32>
          %swap3A_190 = arith.index_cast %add3A_104 : i32 to index
          %swap3A_191 = arith.constant 48 : index
          %swap3A_192 = tpu.vector_load %arg11[%swap3A_190, %swap3A_191] {strides = array<i32>} : memref<128x128xf32, #tpu.memory_space<vmem>>, vector<1x16xf32>,
          %swap3A_193 = vector.shape_cast %swap3A_192 : vector<1x16xf32> to vector<16xf32>
          %swap3A_194 = vector.shape_cast %bitcast_convert_type3A_182 : vector<16xf32> to vector<1x16xf32>
          tpu.vector_store %arg11[%swap3A_190, %swap3A_191], %swap3A_194 {strides = array<i32>} : memref<128x128xf32, #tpu.memory_space<vmem>>, vector<1x16xf32>,
          %swap3A_195 = arith.index_cast %add3A_104 : i32 to index
          %swap3A_196 = arith.constant 112 : index
          %swap3A_197 = tpu.vector_load %arg11[%swap3A_195, %swap3A_196] {strides = array<i32>} : memref<128x128xf32, #tpu.memory_space<vmem>>, vector<1x16xf32>,
          %swap3A_198 = vector.shape_cast %swap3A_197 : vector<1x16xf32> to vector<16xf32>
          %swap3A_199 = vector.shape_cast %bitcast_convert_type3A_189 : vector<16xf32> to vector<1x16xf32>
          tpu.vector_store %arg11[%swap3A_195, %swap3A_196], %swap3A_199 {strides = array<i32>} : memref<128x128xf32, #tpu.memory_space<vmem>>, vector<1x16xf32>,
        }
        %scan3A_76 = arith.constant 128 : i32
        "tpu.region"() ({
          %run_scoped3A = tpu.sem_alloc : memref<!tpu.dma_semaphore, #tpu.memory_space<semaphore_mem>>
          %dma_start3A_100 = arith.constant 0 : i32
          %dma_start3A_101 = tpu.memref_slice %arg8[%add3A_56, %dma_start3A_100] : memref<8x128xi32, #tpu.memory_space<vmem>> -> memref<1x128xi32, #tpu.memory_space<vmem>>
          %dma_start3A_102 = tpu.memref_squeeze %dma_start3A_101 : memref<1x128xi32, #tpu.memory_space<vmem>> -> memref<128xi32, #tpu.memory_space<vmem>>
          %dma_start3A_103 = arith.constant 0 : i32
          %dma_start3A_104 = arith.constant 0 : i32
          %dma_start3A_105 = tpu.memref_slice %arg12[%dma_start3A_103, %dma_start3A_104] : memref<10112x128xf32, #tpu.memory_space<vmem_shared>> -> memref<10112x128xf32, #tpu.memory_space<vmem_shared>>
          tpu.enqueue_indirect_dma source(%arg11 : memref<128x128xf32, #tpu.memory_space<vmem>>) target(%dma_start3A_105 : memref<10112x128xf32, #tpu.memory_space<vmem_shared>>) offsets(%dma_start3A_102 : memref<128xi32, #tpu.memory_space<vmem>>) semaphore(%run_scoped3A : memref<!tpu.dma_semaphore, #tpu.memory_space<semaphore_mem>>) {add = true}
          %dma_wait3A_106 = arith.constant 0 : i32
          %dma_wait3A_107 = tpu.memref_slice %arg8[%add3A_56, %dma_wait3A_106] : memref<8x128xi32, #tpu.memory_space<vmem>> -> memref<1x128xi32, #tpu.memory_space<vmem>>
          %dma_wait3A_108 = tpu.memref_squeeze %dma_wait3A_107 : memref<1x128xi32, #tpu.memory_space<vmem>> -> memref<128xi32, #tpu.memory_space<vmem>>
          %dma_wait3A_109 = arith.constant 0 : i32
          %dma_wait3A_110 = arith.constant 0 : i32
          %dma_wait3A_111 = tpu.memref_slice %arg12[%dma_wait3A_109, %dma_wait3A_110] : memref<10112x128xf32, #tpu.memory_space<vmem_shared>> -> memref<10112x128xf32, #tpu.memory_space<vmem_shared>>
          tpu.wait_indirect_dma semaphore(%run_scoped3A : memref<!tpu.dma_semaphore, #tpu.memory_space<semaphore_mem>>) src(%arg11 : memref<128x128xf32, #tpu.memory_space<vmem>>) dst(%dma_wait3A_111 : memref<10112x128xf32, #tpu.memory_space<vmem_shared>>)
          tpu.yield
        }) : () -> ()
        %dma_wait3A_77 = arith.constant 0 : i32
        %dma_wait3A_78 = tpu.memref_slice %arg7[%add3A_56, %dma_wait3A_77] : memref<8x128xi32, #tpu.memory_space<vmem>> -> memref<1x128xi32, #tpu.memory_space<vmem>>
        %dma_wait3A_79 = tpu.memref_squeeze %dma_wait3A_78 : memref<1x128xi32, #tpu.memory_space<vmem>> -> memref<128xi32, #tpu.memory_space<vmem>>
        %dma_wait3A_80 = arith.constant 0 : i32
        %dma_wait3A_81 = arith.constant 0 : i32
        %dma_wait3A_82 = tpu.memref_slice %arg2[%dma_wait3A_80, %dma_wait3A_81] : memref<10008x64xi32, #tpu.memory_space<hbm>> -> memref<10008x64xi32, #tpu.memory_space<hbm>>
        tpu.wait_indirect_dma semaphore(%arg14 : memref<!tpu.dma_semaphore, #tpu.memory_space<semaphore_mem>>) src(%dma_wait3A_82 : memref<10008x64xi32, #tpu.memory_space<hbm>>) dst(%arg10 : memref<128x64xi32, #tpu.memory_space<vmem>>)
        %add3A_83 = arith.constant 2 : i32
        %add3A_84 = arith.addi %add3A_56, %add3A_83 : i32
        %min3A_85 = arith.constant 7 : i32
        %min3A_86 = arith.minsi %add3A_84, %min3A_85 : i32
        %dma_start3A_87 = arith.constant 0 : i32
        %dma_start3A_88 = tpu.memref_slice %arg7[%min3A_86, %dma_start3A_87] : memref<8x128xi32, #tpu.memory_space<vmem>> -> memref<1x128xi32, #tpu.memory_space<vmem>>
        %dma_start3A_89 = tpu.memref_squeeze %dma_start3A_88 : memref<1x128xi32, #tpu.memory_space<vmem>> -> memref<128xi32, #tpu.memory_space<vmem>>
        %dma_start3A_90 = arith.constant 0 : i32
        %dma_start3A_91 = arith.constant 0 : i32
        %dma_start3A_92 = tpu.memref_slice %arg2[%dma_start3A_90, %dma_start3A_91] : memref<10008x64xi32, #tpu.memory_space<hbm>> -> memref<10008x64xi32, #tpu.memory_space<hbm>>
        tpu.enqueue_indirect_dma source(%dma_start3A_92 : memref<10008x64xi32, #tpu.memory_space<hbm>>) target(%arg9 : memref<128x64xi32, #tpu.memory_space<vmem>>) offsets(%dma_start3A_89 : memref<128xi32, #tpu.memory_space<vmem>>) semaphore(%arg13 : memref<!tpu.dma_semaphore, #tpu.memory_space<semaphore_mem>>)
        %add3A_93 = arith.constant 1 : i32
        %add3A_94 = arith.addi %add3A_56, %add3A_93 : i32
        %scan3A_95 = arith.constant 0 : i32
        %scan3A_96 = arith.constant 128 : i32
        %scan3A_97 = arith.addi %scan3A_95, %scan3A_96 : i32
        %scan3A_98 = arith.constant 1 : i32
        scf.for %scan3A_100 = %scan3A_95 to %scan3A_97 step %scan3A_98  : i32 {
          %mul3A_101 = arith.constant 1 : i32
          %mul3A_102 = arith.muli %scan3A_100, %mul3A_101 : i32
          %add3A_103 = arith.constant 0 : i32
          %add3A_104 = arith.addi %add3A_103, %mul3A_102 : i32
          %get3A = arith.index_cast %add3A_104 : i32 to index
          %get3A_105 = arith.constant 0 : index
          %get3A_106 = tpu.vector_load %arg10[%get3A, %get3A_105] {strides = array<i32>} : memref<128x64xi32, #tpu.memory_space<vmem>>, vector<1x16xi32>,
          %get3A_107 = vector.shape_cast %get3A_106 : vector<1x16xi32> to vector<16xi32>
          %shift_left3A = arith.constant 16 : i32
          %shift_left3A_108 = vector.broadcast %shift_left3A : i32 to vector<16xi32>
          %shift_left3A_109 = arith.shli %get3A_107, %shift_left3A_108 : vector<16xi32>
          %bitcast_convert_type3A = tpu.bitcast %shift_left3A_109 : vector<16xi32> -> vector<16xf32>
          %shift_right_logical3A = arith.constant 16 : i32
          %shift_right_logical3A_110 = vector.broadcast %shift_right_logical3A : i32 to vector<16xi32>
          %shift_right_logical3A_111 = arith.shrui %get3A_107, %shift_right_logical3A_110 : vector<16xi32>
          %shift_left3A_112 = arith.constant 16 : i32
          %shift_left3A_113 = vector.broadcast %shift_left3A_112 : i32 to vector<16xi32>
          %shift_left3A_114 = arith.shli %shift_right_logical3A_111, %shift_left3A_113 : vector<16xi32>
          %bitcast_convert_type3A_115 = tpu.bitcast %shift_left3A_114 : vector<16xi32> -> vector<16xf32>
          %swap3A = arith.index_cast %add3A_104 : i32 to index
          %swap3A_116 = arith.constant 0 : index
          %swap3A_117 = tpu.vector_load %arg11[%swap3A, %swap3A_116] {strides = array<i32>} : memref<128x128xf32, #tpu.memory_space<vmem>>, vector<1x16xf32>,
          %swap3A_118 = vector.shape_cast %swap3A_117 : vector<1x16xf32> to vector<16xf32>
          %swap3A_119 = vector.shape_cast %bitcast_convert_type3A : vector<16xf32> to vector<1x16xf32>
          tpu.vector_store %arg11[%swap3A, %swap3A_116], %swap3A_119 {strides = array<i32>} : memref<128x128xf32, #tpu.memory_space<vmem>>, vector<1x16xf32>,
          %swap3A_120 = arith.index_cast %add3A_104 : i32 to index
          %swap3A_121 = arith.constant 64 : index
          %swap3A_122 = tpu.vector_load %arg11[%swap3A_120, %swap3A_121] {strides = array<i32>} : memref<128x128xf32, #tpu.memory_space<vmem>>, vector<1x16xf32>,
          %swap3A_123 = vector.shape_cast %swap3A_122 : vector<1x16xf32> to vector<16xf32>
          %swap3A_124 = vector.shape_cast %bitcast_convert_type3A_115 : vector<16xf32> to vector<1x16xf32>
          tpu.vector_store %arg11[%swap3A_120, %swap3A_121], %swap3A_124 {strides = array<i32>} : memref<128x128xf32, #tpu.memory_space<vmem>>, vector<1x16xf32>,
          %get3A_125 = arith.index_cast %add3A_104 : i32 to index
          %get3A_126 = arith.constant 16 : index
          %get3A_127 = tpu.vector_load %arg10[%get3A_125, %get3A_126] {strides = array<i32>} : memref<128x64xi32, #tpu.memory_space<vmem>>, vector<1x16xi32>,
          %get3A_128 = vector.shape_cast %get3A_127 : vector<1x16xi32> to vector<16xi32>
          %shift_left3A_129 = arith.constant 16 : i32
          %shift_left3A_130 = vector.broadcast %shift_left3A_129 : i32 to vector<16xi32>
          %shift_left3A_131 = arith.shli %get3A_128, %shift_left3A_130 : vector<16xi32>
          %bitcast_convert_type3A_132 = tpu.bitcast %shift_left3A_131 : vector<16xi32> -> vector<16xf32>
          %shift_right_logical3A_133 = arith.constant 16 : i32
          %shift_right_logical3A_134 = vector.broadcast %shift_right_logical3A_133 : i32 to vector<16xi32>
          %shift_right_logical3A_135 = arith.shrui %get3A_128, %shift_right_logical3A_134 : vector<16xi32>
          %shift_left3A_136 = arith.constant 16 : i32
          %shift_left3A_137 = vector.broadcast %shift_left3A_136 : i32 to vector<16xi32>
          %shift_left3A_138 = arith.shli %shift_right_logical3A_135, %shift_left3A_137 : vector<16xi32>
          %bitcast_convert_type3A_139 = tpu.bitcast %shift_left3A_138 : vector<16xi32> -> vector<16xf32>
          %swap3A_140 = arith.index_cast %add3A_104 : i32 to index
          %swap3A_141 = arith.constant 16 : index
          %swap3A_142 = tpu.vector_load %arg11[%swap3A_140, %swap3A_141] {strides = array<i32>} : memref<128x128xf32, #tpu.memory_space<vmem>>, vector<1x16xf32>,
          %swap3A_143 = vector.shape_cast %swap3A_142 : vector<1x16xf32> to vector<16xf32>
          %swap3A_144 = vector.shape_cast %bitcast_convert_type3A_132 : vector<16xf32> to vector<1x16xf32>
          tpu.vector_store %arg11[%swap3A_140, %swap3A_141], %swap3A_144 {strides = array<i32>} : memref<128x128xf32, #tpu.memory_space<vmem>>, vector<1x16xf32>,
          %swap3A_145 = arith.index_cast %add3A_104 : i32 to index
          %swap3A_146 = arith.constant 80 : index
          %swap3A_147 = tpu.vector_load %arg11[%swap3A_145, %swap3A_146] {strides = array<i32>} : memref<128x128xf32, #tpu.memory_space<vmem>>, vector<1x16xf32>,
          %swap3A_148 = vector.shape_cast %swap3A_147 : vector<1x16xf32> to vector<16xf32>
          %swap3A_149 = vector.shape_cast %bitcast_convert_type3A_139 : vector<16xf32> to vector<1x16xf32>
          tpu.vector_store %arg11[%swap3A_145, %swap3A_146], %swap3A_149 {strides = array<i32>} : memref<128x128xf32, #tpu.memory_space<vmem>>, vector<1x16xf32>,
          %get3A_150 = arith.index_cast %add3A_104 : i32 to index
          %get3A_151 = arith.constant 32 : index
          %get3A_152 = tpu.vector_load %arg10[%get3A_150, %get3A_151] {strides = array<i32>} : memref<128x64xi32, #tpu.memory_space<vmem>>, vector<1x16xi32>,
          %get3A_153 = vector.shape_cast %get3A_152 : vector<1x16xi32> to vector<16xi32>
          %shift_left3A_154 = arith.constant 16 : i32
          %shift_left3A_155 = vector.broadcast %shift_left3A_154 : i32 to vector<16xi32>
          %shift_left3A_156 = arith.shli %get3A_153, %shift_left3A_155 : vector<16xi32>
          %bitcast_convert_type3A_157 = tpu.bitcast %shift_left3A_156 : vector<16xi32> -> vector<16xf32>
          %shift_right_logical3A_158 = arith.constant 16 : i32
          %shift_right_logical3A_159 = vector.broadcast %shift_right_logical3A_158 : i32 to vector<16xi32>
          %shift_right_logical3A_160 = arith.shrui %get3A_153, %shift_right_logical3A_159 : vector<16xi32>
          %shift_left3A_161 = arith.constant 16 : i32
          %shift_left3A_162 = vector.broadcast %shift_left3A_161 : i32 to vector<16xi32>
          %shift_left3A_163 = arith.shli %shift_right_logical3A_160, %shift_left3A_162 : vector<16xi32>
          %bitcast_convert_type3A_164 = tpu.bitcast %shift_left3A_163 : vector<16xi32> -> vector<16xf32>
          %swap3A_165 = arith.index_cast %add3A_104 : i32 to index
          %swap3A_166 = arith.constant 32 : index
          %swap3A_167 = tpu.vector_load %arg11[%swap3A_165, %swap3A_166] {strides = array<i32>} : memref<128x128xf32, #tpu.memory_space<vmem>>, vector<1x16xf32>,
          %swap3A_168 = vector.shape_cast %swap3A_167 : vector<1x16xf32> to vector<16xf32>
          %swap3A_169 = vector.shape_cast %bitcast_convert_type3A_157 : vector<16xf32> to vector<1x16xf32>
          tpu.vector_store %arg11[%swap3A_165, %swap3A_166], %swap3A_169 {strides = array<i32>} : memref<128x128xf32, #tpu.memory_space<vmem>>, vector<1x16xf32>,
          %swap3A_170 = arith.index_cast %add3A_104 : i32 to index
          %swap3A_171 = arith.constant 96 : index
          %swap3A_172 = tpu.vector_load %arg11[%swap3A_170, %swap3A_171] {strides = array<i32>} : memref<128x128xf32, #tpu.memory_space<vmem>>, vector<1x16xf32>,
          %swap3A_173 = vector.shape_cast %swap3A_172 : vector<1x16xf32> to vector<16xf32>
          %swap3A_174 = vector.shape_cast %bitcast_convert_type3A_164 : vector<16xf32> to vector<1x16xf32>
          tpu.vector_store %arg11[%swap3A_170, %swap3A_171], %swap3A_174 {strides = array<i32>} : memref<128x128xf32, #tpu.memory_space<vmem>>, vector<1x16xf32>,
          %get3A_175 = arith.index_cast %add3A_104 : i32 to index
          %get3A_176 = arith.constant 48 : index
          %get3A_177 = tpu.vector_load %arg10[%get3A_175, %get3A_176] {strides = array<i32>} : memref<128x64xi32, #tpu.memory_space<vmem>>, vector<1x16xi32>,
          %get3A_178 = vector.shape_cast %get3A_177 : vector<1x16xi32> to vector<16xi32>
          %shift_left3A_179 = arith.constant 16 : i32
          %shift_left3A_180 = vector.broadcast %shift_left3A_179 : i32 to vector<16xi32>
          %shift_left3A_181 = arith.shli %get3A_178, %shift_left3A_180 : vector<16xi32>
          %bitcast_convert_type3A_182 = tpu.bitcast %shift_left3A_181 : vector<16xi32> -> vector<16xf32>
          %shift_right_logical3A_183 = arith.constant 16 : i32
          %shift_right_logical3A_184 = vector.broadcast %shift_right_logical3A_183 : i32 to vector<16xi32>
          %shift_right_logical3A_185 = arith.shrui %get3A_178, %shift_right_logical3A_184 : vector<16xi32>
          %shift_left3A_186 = arith.constant 16 : i32
          %shift_left3A_187 = vector.broadcast %shift_left3A_186 : i32 to vector<16xi32>
          %shift_left3A_188 = arith.shli %shift_right_logical3A_185, %shift_left3A_187 : vector<16xi32>
          %bitcast_convert_type3A_189 = tpu.bitcast %shift_left3A_188 : vector<16xi32> -> vector<16xf32>
          %swap3A_190 = arith.index_cast %add3A_104 : i32 to index
          %swap3A_191 = arith.constant 48 : index
          %swap3A_192 = tpu.vector_load %arg11[%swap3A_190, %swap3A_191] {strides = array<i32>} : memref<128x128xf32, #tpu.memory_space<vmem>>, vector<1x16xf32>,
          %swap3A_193 = vector.shape_cast %swap3A_192 : vector<1x16xf32> to vector<16xf32>
          %swap3A_194 = vector.shape_cast %bitcast_convert_type3A_182 : vector<16xf32> to vector<1x16xf32>
          tpu.vector_store %arg11[%swap3A_190, %swap3A_191], %swap3A_194 {strides = array<i32>} : memref<128x128xf32, #tpu.memory_space<vmem>>, vector<1x16xf32>,
          %swap3A_195 = arith.index_cast %add3A_104 : i32 to index
          %swap3A_196 = arith.constant 112 : index
          %swap3A_197 = tpu.vector_load %arg11[%swap3A_195, %swap3A_196] {strides = array<i32>} : memref<128x128xf32, #tpu.memory_space<vmem>>, vector<1x16xf32>,
          %swap3A_198 = vector.shape_cast %swap3A_197 : vector<1x16xf32> to vector<16xf32>
          %swap3A_199 = vector.shape_cast %bitcast_convert_type3A_189 : vector<16xf32> to vector<1x16xf32>
          tpu.vector_store %arg11[%swap3A_195, %swap3A_196], %swap3A_199 {strides = array<i32>} : memref<128x128xf32, #tpu.memory_space<vmem>>, vector<1x16xf32>,
        }
        %scan3A_99 = arith.constant 128 : i32
        "tpu.region"() ({
          %run_scoped3A = tpu.sem_alloc : memref<!tpu.dma_semaphore, #tpu.memory_space<semaphore_mem>>
          %dma_start3A_100 = arith.constant 0 : i32
          %dma_start3A_101 = tpu.memref_slice %arg8[%add3A_94, %dma_start3A_100] : memref<8x128xi32, #tpu.memory_space<vmem>> -> memref<1x128xi32, #tpu.memory_space<vmem>>
          %dma_start3A_102 = tpu.memref_squeeze %dma_start3A_101 : memref<1x128xi32, #tpu.memory_space<vmem>> -> memref<128xi32, #tpu.memory_space<vmem>>
          %dma_start3A_103 = arith.constant 0 : i32
          %dma_start3A_104 = arith.constant 0 : i32
          %dma_start3A_105 = tpu.memref_slice %arg12[%dma_start3A_103, %dma_start3A_104] : memref<10112x128xf32, #tpu.memory_space<vmem_shared>> -> memref<10112x128xf32, #tpu.memory_space<vmem_shared>>
          tpu.enqueue_indirect_dma source(%arg11 : memref<128x128xf32, #tpu.memory_space<vmem>>) target(%dma_start3A_105 : memref<10112x128xf32, #tpu.memory_space<vmem_shared>>) offsets(%dma_start3A_102 : memref<128xi32, #tpu.memory_space<vmem>>) semaphore(%run_scoped3A : memref<!tpu.dma_semaphore, #tpu.memory_space<semaphore_mem>>) {add = true}
          %dma_wait3A_106 = arith.constant 0 : i32
          %dma_wait3A_107 = tpu.memref_slice %arg8[%add3A_94, %dma_wait3A_106] : memref<8x128xi32, #tpu.memory_space<vmem>> -> memref<1x128xi32, #tpu.memory_space<vmem>>
          %dma_wait3A_108 = tpu.memref_squeeze %dma_wait3A_107 : memref<1x128xi32, #tpu.memory_space<vmem>> -> memref<128xi32, #tpu.memory_space<vmem>>
          %dma_wait3A_109 = arith.constant 0 : i32
          %dma_wait3A_110 = arith.constant 0 : i32
          %dma_wait3A_111 = tpu.memref_slice %arg12[%dma_wait3A_109, %dma_wait3A_110] : memref<10112x128xf32, #tpu.memory_space<vmem_shared>> -> memref<10112x128xf32, #tpu.memory_space<vmem_shared>>
          tpu.wait_indirect_dma semaphore(%run_scoped3A : memref<!tpu.dma_semaphore, #tpu.memory_space<semaphore_mem>>) src(%arg11 : memref<128x128xf32, #tpu.memory_space<vmem>>) dst(%dma_wait3A_111 : memref<10112x128xf32, #tpu.memory_space<vmem_shared>>)
          tpu.yield
        }) : () -> ()
      }
      %scan3A_45 = arith.constant 4 : i32
      %dma_wait3A = arith.constant 0 : i32
      %dma_wait3A_46 = arith.constant 0 : i32
      %dma_wait3A_47 = tpu.memref_slice %arg7[%dma_wait3A, %dma_wait3A_46] : memref<8x128xi32, #tpu.memory_space<vmem>> -> memref<1x128xi32, #tpu.memory_space<vmem>>
      %dma_wait3A_48 = tpu.memref_squeeze %dma_wait3A_47 : memref<1x128xi32, #tpu.memory_space<vmem>> -> memref<128xi32, #tpu.memory_space<vmem>>
      %dma_wait3A_49 = arith.constant 0 : i32
      %dma_wait3A_50 = arith.constant 0 : i32
      %dma_wait3A_51 = tpu.memref_slice %arg2[%dma_wait3A_49, %dma_wait3A_50] : memref<10008x64xi32, #tpu.memory_space<hbm>> -> memref<10008x64xi32, #tpu.memory_space<hbm>>
      tpu.wait_indirect_dma semaphore(%arg13 : memref<!tpu.dma_semaphore, #tpu.memory_space<semaphore_mem>>) src(%dma_wait3A_51 : memref<10008x64xi32, #tpu.memory_space<hbm>>) dst(%arg9 : memref<128x64xi32, #tpu.memory_space<vmem>>)
    }
    %while3A_27 = arith.constant 1 : i32
    scf.for %while3A_29 = %while3A_25 to %while3A_21 step %while3A_27  : i32 {
      %mul3A_30 = arith.muli %while3A_29, %while3A : i32
      %add3A_31 = arith.addi %while3A_18, %mul3A_30 : i32
      %mul3A_32 = arith.constant 8 : i32
      %mul3A_33 = arith.muli %add3A_31, %mul3A_32 : i32
      %add3A_34 = arith.addi %select_n3A, %mul3A_33 : i32
      %multiple_of3A_35 = tpu.assume_multiple %add3A_34, 8 : i32
      "tpu.region"() ({
        %run_scoped3A = tpu.sem_alloc : memref<!tpu.dma_semaphore, #tpu.memory_space<semaphore_mem>>
        %dma_start3A_52 = arith.constant 0 : i32
        %dma_start3A_53 = tpu.memref_slice %arg3[%multiple_of3A_35, %dma_start3A_52] : memref<2560x128xi32, #tpu.memory_space<hbm>> -> memref<8x128xi32, #tpu.memory_space<hbm>>
        %dma_start3A_54 = arith.constant 0 : i32
        %dma_start3A_55 = tpu.memref_slice %arg3[%multiple_of3A_35, %dma_start3A_54] : memref<2560x128xi32, #tpu.memory_space<hbm>> -> memref<8x128xi32, #tpu.memory_space<hbm>>
        tpu.enqueue_dma source(%dma_start3A_55 : memref<8x128xi32, #tpu.memory_space<hbm>>) target(%arg7 : memref<8x128xi32, #tpu.memory_space<vmem>>) target_semaphore(%run_scoped3A : memref<!tpu.dma_semaphore, #tpu.memory_space<semaphore_mem>>)
        %dma_wait3A_56 = arith.constant 0 : i32
        %dma_wait3A_57 = tpu.memref_slice %arg3[%multiple_of3A_35, %dma_wait3A_56] : memref<2560x128xi32, #tpu.memory_space<hbm>> -> memref<8x128xi32, #tpu.memory_space<hbm>>
        %dma_wait3A_58 = arith.constant 0 : i32
        %dma_wait3A_59 = tpu.memref_slice %arg3[%multiple_of3A_35, %dma_wait3A_58] : memref<2560x128xi32, #tpu.memory_space<hbm>> -> memref<8x128xi32, #tpu.memory_space<hbm>>
        tpu.wait_dma2 semaphore(%run_scoped3A : memref<!tpu.dma_semaphore, #tpu.memory_space<semaphore_mem>>) src(%dma_wait3A_59 : memref<8x128xi32, #tpu.memory_space<hbm>>) dst(%arg7 : memref<8x128xi32, #tpu.memory_space<vmem>>)
        tpu.yield
      }) : () -> ()
      "tpu.region"() ({
        %run_scoped3A = tpu.sem_alloc : memref<!tpu.dma_semaphore, #tpu.memory_space<semaphore_mem>>
        %dma_start3A_52 = arith.constant 0 : i32
        %dma_start3A_53 = tpu.memref_slice %arg4[%multiple_of3A_35, %dma_start3A_52] : memref<2560x128xi32, #tpu.memory_space<hbm>> -> memref<8x128xi32, #tpu.memory_space<hbm>>
        %dma_start3A_54 = arith.constant 0 : i32
        %dma_start3A_55 = tpu.memref_slice %arg4[%multiple_of3A_35, %dma_start3A_54] : memref<2560x128xi32, #tpu.memory_space<hbm>> -> memref<8x128xi32, #tpu.memory_space<hbm>>
        tpu.enqueue_dma source(%dma_start3A_55 : memref<8x128xi32, #tpu.memory_space<hbm>>) target(%arg8 : memref<8x128xi32, #tpu.memory_space<vmem>>) target_semaphore(%run_scoped3A : memref<!tpu.dma_semaphore, #tpu.memory_space<semaphore_mem>>)
        %dma_wait3A_56 = arith.constant 0 : i32
        %dma_wait3A_57 = tpu.memref_slice %arg4[%multiple_of3A_35, %dma_wait3A_56] : memref<2560x128xi32, #tpu.memory_space<hbm>> -> memref<8x128xi32, #tpu.memory_space<hbm>>
        %dma_wait3A_58 = arith.constant 0 : i32
        %dma_wait3A_59 = tpu.memref_slice %arg4[%multiple_of3A_35, %dma_wait3A_58] : memref<2560x128xi32, #tpu.memory_space<hbm>> -> memref<8x128xi32, #tpu.memory_space<hbm>>
        tpu.wait_dma2 semaphore(%run_scoped3A : memref<!tpu.dma_semaphore, #tpu.memory_space<semaphore_mem>>) src(%dma_wait3A_59 : memref<8x128xi32, #tpu.memory_space<hbm>>) dst(%arg8 : memref<8x128xi32, #tpu.memory_space<vmem>>)
        tpu.yield
      }) : () -> ()
      %dma_start3A = arith.constant 0 : i32
      %dma_start3A_36 = arith.constant 0 : i32
      %dma_start3A_37 = tpu.memref_slice %arg7[%dma_start3A, %dma_start3A_36] : memref<8x128xi32, #tpu.memory_space<vmem>> -> memref<1x128xi32, #tpu.memory_space<vmem>>
      %dma_start3A_38 = tpu.memref_squeeze %dma_start3A_37 : memref<1x128xi32, #tpu.memory_space<vmem>> -> memref<128xi32, #tpu.memory_space<vmem>>
      %dma_start3A_39 = arith.constant 0 : i32
      %dma_start3A_40 = arith.constant 0 : i32
      %dma_start3A_41 = tpu.memref_slice %arg2[%dma_start3A_39, %dma_start3A_40] : memref<10008x64xi32, #tpu.memory_space<hbm>> -> memref<10008x64xi32, #tpu.memory_space<hbm>>
      tpu.enqueue_indirect_dma source(%dma_start3A_41 : memref<10008x64xi32, #tpu.memory_space<hbm>>) target(%arg9 : memref<128x64xi32, #tpu.memory_space<vmem>>) offsets(%dma_start3A_38 : memref<128xi32, #tpu.memory_space<vmem>>) semaphore(%arg13 : memref<!tpu.dma_semaphore, #tpu.memory_space<semaphore_mem>>)
      %scan3A = arith.constant 0 : i32
      %scan3A_42 = arith.constant 4 : i32
      %scan3A_43 = arith.addi %scan3A, %scan3A_42 : i32
      %scan3A_44 = arith.constant 1 : i32
      scf.for %scan3A_52 = %scan3A to %scan3A_43 step %scan3A_44  : i32 {
        %mul3A_53 = arith.constant 2 : i32
        %mul3A_54 = arith.muli %scan3A_52, %mul3A_53 : i32
        %add3A_55 = arith.constant 0 : i32
        %add3A_56 = arith.addi %add3A_55, %mul3A_54 : i32
        %dma_wait3A_57 = arith.constant 0 : i32
        %dma_wait3A_58 = tpu.memref_slice %arg7[%add3A_56, %dma_wait3A_57] : memref<8x128xi32, #tpu.memory_space<vmem>> -> memref<1x128xi32, #tpu.memory_space<vmem>>
        %dma_wait3A_59 = tpu.memref_squeeze %dma_wait3A_58 : memref<1x128xi32, #tpu.memory_space<vmem>> -> memref<128xi32, #tpu.memory_space<vmem>>
        %dma_wait3A_60 = arith.constant 0 : i32
        %dma_wait3A_61 = arith.constant 0 : i32
        %dma_wait3A_62 = tpu.memref_slice %arg2[%dma_wait3A_60, %dma_wait3A_61] : memref<10008x64xi32, #tpu.memory_space<hbm>> -> memref<10008x64xi32, #tpu.memory_space<hbm>>
        tpu.wait_indirect_dma semaphore(%arg13 : memref<!tpu.dma_semaphore, #tpu.memory_space<semaphore_mem>>) src(%dma_wait3A_62 : memref<10008x64xi32, #tpu.memory_space<hbm>>) dst(%arg9 : memref<128x64xi32, #tpu.memory_space<vmem>>)
        %add3A_63 = arith.constant 1 : i32
        %add3A_64 = arith.addi %add3A_56, %add3A_63 : i32
        %min3A = arith.constant 7 : i32
        %min3A_65 = arith.minsi %add3A_64, %min3A : i32
        %dma_start3A_66 = arith.constant 0 : i32
        %dma_start3A_67 = tpu.memref_slice %arg7[%min3A_65, %dma_start3A_66] : memref<8x128xi32, #tpu.memory_space<vmem>> -> memref<1x128xi32, #tpu.memory_space<vmem>>
        %dma_start3A_68 = tpu.memref_squeeze %dma_start3A_67 : memref<1x128xi32, #tpu.memory_space<vmem>> -> memref<128xi32, #tpu.memory_space<vmem>>
        %dma_start3A_69 = arith.constant 0 : i32
        %dma_start3A_70 = arith.constant 0 : i32
        %dma_start3A_71 = tpu.memref_slice %arg2[%dma_start3A_69, %dma_start3A_70] : memref<10008x64xi32, #tpu.memory_space<hbm>> -> memref<10008x64xi32, #tpu.memory_space<hbm>>
        tpu.enqueue_indirect_dma source(%dma_start3A_71 : memref<10008x64xi32, #tpu.memory_space<hbm>>) target(%arg10 : memref<128x64xi32, #tpu.memory_space<vmem>>) offsets(%dma_start3A_68 : memref<128xi32, #tpu.memory_space<vmem>>) semaphore(%arg14 : memref<!tpu.dma_semaphore, #tpu.memory_space<semaphore_mem>>)
        %scan3A_72 = arith.constant 0 : i32
        %scan3A_73 = arith.constant 128 : i32
        %scan3A_74 = arith.addi %scan3A_72, %scan3A_73 : i32
        %scan3A_75 = arith.constant 1 : i32
        scf.for %scan3A_100 = %scan3A_72 to %scan3A_74 step %scan3A_75  : i32 {
          %mul3A_101 = arith.constant 1 : i32
          %mul3A_102 = arith.muli %scan3A_100, %mul3A_101 : i32
          %add3A_103 = arith.constant 0 : i32
          %add3A_104 = arith.addi %add3A_103, %mul3A_102 : i32
          %get3A = arith.index_cast %add3A_104 : i32 to index
          %get3A_105 = arith.constant 0 : index
          %get3A_106 = tpu.vector_load %arg9[%get3A, %get3A_105] {strides = array<i32>} : memref<128x64xi32, #tpu.memory_space<vmem>>, vector<1x16xi32>,
          %get3A_107 = vector.shape_cast %get3A_106 : vector<1x16xi32> to vector<16xi32>
          %shift_left3A = arith.constant 16 : i32
          %shift_left3A_108 = vector.broadcast %shift_left3A : i32 to vector<16xi32>
          %shift_left3A_109 = arith.shli %get3A_107, %shift_left3A_108 : vector<16xi32>
          %bitcast_convert_type3A = tpu.bitcast %shift_left3A_109 : vector<16xi32> -> vector<16xf32>
          %shift_right_logical3A = arith.constant 16 : i32
          %shift_right_logical3A_110 = vector.broadcast %shift_right_logical3A : i32 to vector<16xi32>
          %shift_right_logical3A_111 = arith.shrui %get3A_107, %shift_right_logical3A_110 : vector<16xi32>
          %shift_left3A_112 = arith.constant 16 : i32
          %shift_left3A_113 = vector.broadcast %shift_left3A_112 : i32 to vector<16xi32>
          %shift_left3A_114 = arith.shli %shift_right_logical3A_111, %shift_left3A_113 : vector<16xi32>
          %bitcast_convert_type3A_115 = tpu.bitcast %shift_left3A_114 : vector<16xi32> -> vector<16xf32>
          %swap3A = arith.index_cast %add3A_104 : i32 to index
          %swap3A_116 = arith.constant 0 : index
          %swap3A_117 = tpu.vector_load %arg11[%swap3A, %swap3A_116] {strides = array<i32>} : memref<128x128xf32, #tpu.memory_space<vmem>>, vector<1x16xf32>,
          %swap3A_118 = vector.shape_cast %swap3A_117 : vector<1x16xf32> to vector<16xf32>
          %swap3A_119 = vector.shape_cast %bitcast_convert_type3A : vector<16xf32> to vector<1x16xf32>
          tpu.vector_store %arg11[%swap3A, %swap3A_116], %swap3A_119 {strides = array<i32>} : memref<128x128xf32, #tpu.memory_space<vmem>>, vector<1x16xf32>,
          %swap3A_120 = arith.index_cast %add3A_104 : i32 to index
          %swap3A_121 = arith.constant 64 : index
          %swap3A_122 = tpu.vector_load %arg11[%swap3A_120, %swap3A_121] {strides = array<i32>} : memref<128x128xf32, #tpu.memory_space<vmem>>, vector<1x16xf32>,
          %swap3A_123 = vector.shape_cast %swap3A_122 : vector<1x16xf32> to vector<16xf32>
          %swap3A_124 = vector.shape_cast %bitcast_convert_type3A_115 : vector<16xf32> to vector<1x16xf32>
          tpu.vector_store %arg11[%swap3A_120, %swap3A_121], %swap3A_124 {strides = array<i32>} : memref<128x128xf32, #tpu.memory_space<vmem>>, vector<1x16xf32>,
          %get3A_125 = arith.index_cast %add3A_104 : i32 to index
          %get3A_126 = arith.constant 16 : index
          %get3A_127 = tpu.vector_load %arg9[%get3A_125, %get3A_126] {strides = array<i32>} : memref<128x64xi32, #tpu.memory_space<vmem>>, vector<1x16xi32>,
          %get3A_128 = vector.shape_cast %get3A_127 : vector<1x16xi32> to vector<16xi32>
          %shift_left3A_129 = arith.constant 16 : i32
          %shift_left3A_130 = vector.broadcast %shift_left3A_129 : i32 to vector<16xi32>
          %shift_left3A_131 = arith.shli %get3A_128, %shift_left3A_130 : vector<16xi32>
          %bitcast_convert_type3A_132 = tpu.bitcast %shift_left3A_131 : vector<16xi32> -> vector<16xf32>
          %shift_right_logical3A_133 = arith.constant 16 : i32
          %shift_right_logical3A_134 = vector.broadcast %shift_right_logical3A_133 : i32 to vector<16xi32>
          %shift_right_logical3A_135 = arith.shrui %get3A_128, %shift_right_logical3A_134 : vector<16xi32>
          %shift_left3A_136 = arith.constant 16 : i32
          %shift_left3A_137 = vector.broadcast %shift_left3A_136 : i32 to vector<16xi32>
          %shift_left3A_138 = arith.shli %shift_right_logical3A_135, %shift_left3A_137 : vector<16xi32>
          %bitcast_convert_type3A_139 = tpu.bitcast %shift_left3A_138 : vector<16xi32> -> vector<16xf32>
          %swap3A_140 = arith.index_cast %add3A_104 : i32 to index
          %swap3A_141 = arith.constant 16 : index
          %swap3A_142 = tpu.vector_load %arg11[%swap3A_140, %swap3A_141] {strides = array<i32>} : memref<128x128xf32, #tpu.memory_space<vmem>>, vector<1x16xf32>,
          %swap3A_143 = vector.shape_cast %swap3A_142 : vector<1x16xf32> to vector<16xf32>
          %swap3A_144 = vector.shape_cast %bitcast_convert_type3A_132 : vector<16xf32> to vector<1x16xf32>
          tpu.vector_store %arg11[%swap3A_140, %swap3A_141], %swap3A_144 {strides = array<i32>} : memref<128x128xf32, #tpu.memory_space<vmem>>, vector<1x16xf32>,
          %swap3A_145 = arith.index_cast %add3A_104 : i32 to index
          %swap3A_146 = arith.constant 80 : index
          %swap3A_147 = tpu.vector_load %arg11[%swap3A_145, %swap3A_146] {strides = array<i32>} : memref<128x128xf32, #tpu.memory_space<vmem>>, vector<1x16xf32>,
          %swap3A_148 = vector.shape_cast %swap3A_147 : vector<1x16xf32> to vector<16xf32>
          %swap3A_149 = vector.shape_cast %bitcast_convert_type3A_139 : vector<16xf32> to vector<1x16xf32>
          tpu.vector_store %arg11[%swap3A_145, %swap3A_146], %swap3A_149 {strides = array<i32>} : memref<128x128xf32, #tpu.memory_space<vmem>>, vector<1x16xf32>,
          %get3A_150 = arith.index_cast %add3A_104 : i32 to index
          %get3A_151 = arith.constant 32 : index
          %get3A_152 = tpu.vector_load %arg9[%get3A_150, %get3A_151] {strides = array<i32>} : memref<128x64xi32, #tpu.memory_space<vmem>>, vector<1x16xi32>,
          %get3A_153 = vector.shape_cast %get3A_152 : vector<1x16xi32> to vector<16xi32>
          %shift_left3A_154 = arith.constant 16 : i32
          %shift_left3A_155 = vector.broadcast %shift_left3A_154 : i32 to vector<16xi32>
          %shift_left3A_156 = arith.shli %get3A_153, %shift_left3A_155 : vector<16xi32>
          %bitcast_convert_type3A_157 = tpu.bitcast %shift_left3A_156 : vector<16xi32> -> vector<16xf32>
          %shift_right_logical3A_158 = arith.constant 16 : i32
          %shift_right_logical3A_159 = vector.broadcast %shift_right_logical3A_158 : i32 to vector<16xi32>
          %shift_right_logical3A_160 = arith.shrui %get3A_153, %shift_right_logical3A_159 : vector<16xi32>
          %shift_left3A_161 = arith.constant 16 : i32
          %shift_left3A_162 = vector.broadcast %shift_left3A_161 : i32 to vector<16xi32>
          %shift_left3A_163 = arith.shli %shift_right_logical3A_160, %shift_left3A_162 : vector<16xi32>
          %bitcast_convert_type3A_164 = tpu.bitcast %shift_left3A_163 : vector<16xi32> -> vector<16xf32>
          %swap3A_165 = arith.index_cast %add3A_104 : i32 to index
          %swap3A_166 = arith.constant 32 : index
          %swap3A_167 = tpu.vector_load %arg11[%swap3A_165, %swap3A_166] {strides = array<i32>} : memref<128x128xf32, #tpu.memory_space<vmem>>, vector<1x16xf32>,
          %swap3A_168 = vector.shape_cast %swap3A_167 : vector<1x16xf32> to vector<16xf32>
          %swap3A_169 = vector.shape_cast %bitcast_convert_type3A_157 : vector<16xf32> to vector<1x16xf32>
          tpu.vector_store %arg11[%swap3A_165, %swap3A_166], %swap3A_169 {strides = array<i32>} : memref<128x128xf32, #tpu.memory_space<vmem>>, vector<1x16xf32>,
          %swap3A_170 = arith.index_cast %add3A_104 : i32 to index
          %swap3A_171 = arith.constant 96 : index
          %swap3A_172 = tpu.vector_load %arg11[%swap3A_170, %swap3A_171] {strides = array<i32>} : memref<128x128xf32, #tpu.memory_space<vmem>>, vector<1x16xf32>,
          %swap3A_173 = vector.shape_cast %swap3A_172 : vector<1x16xf32> to vector<16xf32>
          %swap3A_174 = vector.shape_cast %bitcast_convert_type3A_164 : vector<16xf32> to vector<1x16xf32>
          tpu.vector_store %arg11[%swap3A_170, %swap3A_171], %swap3A_174 {strides = array<i32>} : memref<128x128xf32, #tpu.memory_space<vmem>>, vector<1x16xf32>,
          %get3A_175 = arith.index_cast %add3A_104 : i32 to index
          %get3A_176 = arith.constant 48 : index
          %get3A_177 = tpu.vector_load %arg9[%get3A_175, %get3A_176] {strides = array<i32>} : memref<128x64xi32, #tpu.memory_space<vmem>>, vector<1x16xi32>,
          %get3A_178 = vector.shape_cast %get3A_177 : vector<1x16xi32> to vector<16xi32>
          %shift_left3A_179 = arith.constant 16 : i32
          %shift_left3A_180 = vector.broadcast %shift_left3A_179 : i32 to vector<16xi32>
          %shift_left3A_181 = arith.shli %get3A_178, %shift_left3A_180 : vector<16xi32>
          %bitcast_convert_type3A_182 = tpu.bitcast %shift_left3A_181 : vector<16xi32> -> vector<16xf32>
          %shift_right_logical3A_183 = arith.constant 16 : i32
          %shift_right_logical3A_184 = vector.broadcast %shift_right_logical3A_183 : i32 to vector<16xi32>
          %shift_right_logical3A_185 = arith.shrui %get3A_178, %shift_right_logical3A_184 : vector<16xi32>
          %shift_left3A_186 = arith.constant 16 : i32
          %shift_left3A_187 = vector.broadcast %shift_left3A_186 : i32 to vector<16xi32>
          %shift_left3A_188 = arith.shli %shift_right_logical3A_185, %shift_left3A_187 : vector<16xi32>
          %bitcast_convert_type3A_189 = tpu.bitcast %shift_left3A_188 : vector<16xi32> -> vector<16xf32>
          %swap3A_190 = arith.index_cast %add3A_104 : i32 to index
          %swap3A_191 = arith.constant 48 : index
          %swap3A_192 = tpu.vector_load %arg11[%swap3A_190, %swap3A_191] {strides = array<i32>} : memref<128x128xf32, #tpu.memory_space<vmem>>, vector<1x16xf32>,
          %swap3A_193 = vector.shape_cast %swap3A_192 : vector<1x16xf32> to vector<16xf32>
          %swap3A_194 = vector.shape_cast %bitcast_convert_type3A_182 : vector<16xf32> to vector<1x16xf32>
          tpu.vector_store %arg11[%swap3A_190, %swap3A_191], %swap3A_194 {strides = array<i32>} : memref<128x128xf32, #tpu.memory_space<vmem>>, vector<1x16xf32>,
          %swap3A_195 = arith.index_cast %add3A_104 : i32 to index
          %swap3A_196 = arith.constant 112 : index
          %swap3A_197 = tpu.vector_load %arg11[%swap3A_195, %swap3A_196] {strides = array<i32>} : memref<128x128xf32, #tpu.memory_space<vmem>>, vector<1x16xf32>,
          %swap3A_198 = vector.shape_cast %swap3A_197 : vector<1x16xf32> to vector<16xf32>
          %swap3A_199 = vector.shape_cast %bitcast_convert_type3A_189 : vector<16xf32> to vector<1x16xf32>
          tpu.vector_store %arg11[%swap3A_195, %swap3A_196], %swap3A_199 {strides = array<i32>} : memref<128x128xf32, #tpu.memory_space<vmem>>, vector<1x16xf32>,
        }
        %scan3A_76 = arith.constant 128 : i32
        "tpu.region"() ({
          %run_scoped3A = tpu.sem_alloc : memref<!tpu.dma_semaphore, #tpu.memory_space<semaphore_mem>>
          %dma_start3A_100 = arith.constant 0 : i32
          %dma_start3A_101 = tpu.memref_slice %arg8[%add3A_56, %dma_start3A_100] : memref<8x128xi32, #tpu.memory_space<vmem>> -> memref<1x128xi32, #tpu.memory_space<vmem>>
          %dma_start3A_102 = tpu.memref_squeeze %dma_start3A_101 : memref<1x128xi32, #tpu.memory_space<vmem>> -> memref<128xi32, #tpu.memory_space<vmem>>
          %dma_start3A_103 = arith.constant 0 : i32
          %dma_start3A_104 = arith.constant 0 : i32
          %dma_start3A_105 = tpu.memref_slice %arg12[%dma_start3A_103, %dma_start3A_104] : memref<10112x128xf32, #tpu.memory_space<vmem_shared>> -> memref<10112x128xf32, #tpu.memory_space<vmem_shared>>
          tpu.enqueue_indirect_dma source(%arg11 : memref<128x128xf32, #tpu.memory_space<vmem>>) target(%dma_start3A_105 : memref<10112x128xf32, #tpu.memory_space<vmem_shared>>) offsets(%dma_start3A_102 : memref<128xi32, #tpu.memory_space<vmem>>) semaphore(%run_scoped3A : memref<!tpu.dma_semaphore, #tpu.memory_space<semaphore_mem>>) {add = true}
          %dma_wait3A_106 = arith.constant 0 : i32
          %dma_wait3A_107 = tpu.memref_slice %arg8[%add3A_56, %dma_wait3A_106] : memref<8x128xi32, #tpu.memory_space<vmem>> -> memref<1x128xi32, #tpu.memory_space<vmem>>
          %dma_wait3A_108 = tpu.memref_squeeze %dma_wait3A_107 : memref<1x128xi32, #tpu.memory_space<vmem>> -> memref<128xi32, #tpu.memory_space<vmem>>
          %dma_wait3A_109 = arith.constant 0 : i32
          %dma_wait3A_110 = arith.constant 0 : i32
          %dma_wait3A_111 = tpu.memref_slice %arg12[%dma_wait3A_109, %dma_wait3A_110] : memref<10112x128xf32, #tpu.memory_space<vmem_shared>> -> memref<10112x128xf32, #tpu.memory_space<vmem_shared>>
          tpu.wait_indirect_dma semaphore(%run_scoped3A : memref<!tpu.dma_semaphore, #tpu.memory_space<semaphore_mem>>) src(%arg11 : memref<128x128xf32, #tpu.memory_space<vmem>>) dst(%dma_wait3A_111 : memref<10112x128xf32, #tpu.memory_space<vmem_shared>>)
          tpu.yield
        }) : () -> ()
        %dma_wait3A_77 = arith.constant 0 : i32
        %dma_wait3A_78 = tpu.memref_slice %arg7[%add3A_56, %dma_wait3A_77] : memref<8x128xi32, #tpu.memory_space<vmem>> -> memref<1x128xi32, #tpu.memory_space<vmem>>
        %dma_wait3A_79 = tpu.memref_squeeze %dma_wait3A_78 : memref<1x128xi32, #tpu.memory_space<vmem>> -> memref<128xi32, #tpu.memory_space<vmem>>
        %dma_wait3A_80 = arith.constant 0 : i32
        %dma_wait3A_81 = arith.constant 0 : i32
        %dma_wait3A_82 = tpu.memref_slice %arg2[%dma_wait3A_80, %dma_wait3A_81] : memref<10008x64xi32, #tpu.memory_space<hbm>> -> memref<10008x64xi32, #tpu.memory_space<hbm>>
        tpu.wait_indirect_dma semaphore(%arg14 : memref<!tpu.dma_semaphore, #tpu.memory_space<semaphore_mem>>) src(%dma_wait3A_82 : memref<10008x64xi32, #tpu.memory_space<hbm>>) dst(%arg10 : memref<128x64xi32, #tpu.memory_space<vmem>>)
        %add3A_83 = arith.constant 2 : i32
        %add3A_84 = arith.addi %add3A_56, %add3A_83 : i32
        %min3A_85 = arith.constant 7 : i32
        %min3A_86 = arith.minsi %add3A_84, %min3A_85 : i32
        %dma_start3A_87 = arith.constant 0 : i32
        %dma_start3A_88 = tpu.memref_slice %arg7[%min3A_86, %dma_start3A_87] : memref<8x128xi32, #tpu.memory_space<vmem>> -> memref<1x128xi32, #tpu.memory_space<vmem>>
        %dma_start3A_89 = tpu.memref_squeeze %dma_start3A_88 : memref<1x128xi32, #tpu.memory_space<vmem>> -> memref<128xi32, #tpu.memory_space<vmem>>
        %dma_start3A_90 = arith.constant 0 : i32
        %dma_start3A_91 = arith.constant 0 : i32
        %dma_start3A_92 = tpu.memref_slice %arg2[%dma_start3A_90, %dma_start3A_91] : memref<10008x64xi32, #tpu.memory_space<hbm>> -> memref<10008x64xi32, #tpu.memory_space<hbm>>
        tpu.enqueue_indirect_dma source(%dma_start3A_92 : memref<10008x64xi32, #tpu.memory_space<hbm>>) target(%arg9 : memref<128x64xi32, #tpu.memory_space<vmem>>) offsets(%dma_start3A_89 : memref<128xi32, #tpu.memory_space<vmem>>) semaphore(%arg13 : memref<!tpu.dma_semaphore, #tpu.memory_space<semaphore_mem>>)
        %add3A_93 = arith.constant 1 : i32
        %add3A_94 = arith.addi %add3A_56, %add3A_93 : i32
        %scan3A_95 = arith.constant 0 : i32
        %scan3A_96 = arith.constant 128 : i32
        %scan3A_97 = arith.addi %scan3A_95, %scan3A_96 : i32
        %scan3A_98 = arith.constant 1 : i32
        scf.for %scan3A_100 = %scan3A_95 to %scan3A_97 step %scan3A_98  : i32 {
          %mul3A_101 = arith.constant 1 : i32
          %mul3A_102 = arith.muli %scan3A_100, %mul3A_101 : i32
          %add3A_103 = arith.constant 0 : i32
          %add3A_104 = arith.addi %add3A_103, %mul3A_102 : i32
          %get3A = arith.index_cast %add3A_104 : i32 to index
          %get3A_105 = arith.constant 0 : index
          %get3A_106 = tpu.vector_load %arg10[%get3A, %get3A_105] {strides = array<i32>} : memref<128x64xi32, #tpu.memory_space<vmem>>, vector<1x16xi32>,
          %get3A_107 = vector.shape_cast %get3A_106 : vector<1x16xi32> to vector<16xi32>
          %shift_left3A = arith.constant 16 : i32
          %shift_left3A_108 = vector.broadcast %shift_left3A : i32 to vector<16xi32>
          %shift_left3A_109 = arith.shli %get3A_107, %shift_left3A_108 : vector<16xi32>
          %bitcast_convert_type3A = tpu.bitcast %shift_left3A_109 : vector<16xi32> -> vector<16xf32>
          %shift_right_logical3A = arith.constant 16 : i32
          %shift_right_logical3A_110 = vector.broadcast %shift_right_logical3A : i32 to vector<16xi32>
          %shift_right_logical3A_111 = arith.shrui %get3A_107, %shift_right_logical3A_110 : vector<16xi32>
          %shift_left3A_112 = arith.constant 16 : i32
          %shift_left3A_113 = vector.broadcast %shift_left3A_112 : i32 to vector<16xi32>
          %shift_left3A_114 = arith.shli %shift_right_logical3A_111, %shift_left3A_113 : vector<16xi32>
          %bitcast_convert_type3A_115 = tpu.bitcast %shift_left3A_114 : vector<16xi32> -> vector<16xf32>
          %swap3A = arith.index_cast %add3A_104 : i32 to index
          %swap3A_116 = arith.constant 0 : index
          %swap3A_117 = tpu.vector_load %arg11[%swap3A, %swap3A_116] {strides = array<i32>} : memref<128x128xf32, #tpu.memory_space<vmem>>, vector<1x16xf32>,
          %swap3A_118 = vector.shape_cast %swap3A_117 : vector<1x16xf32> to vector<16xf32>
          %swap3A_119 = vector.shape_cast %bitcast_convert_type3A : vector<16xf32> to vector<1x16xf32>
          tpu.vector_store %arg11[%swap3A, %swap3A_116], %swap3A_119 {strides = array<i32>} : memref<128x128xf32, #tpu.memory_space<vmem>>, vector<1x16xf32>,
          %swap3A_120 = arith.index_cast %add3A_104 : i32 to index
          %swap3A_121 = arith.constant 64 : index
          %swap3A_122 = tpu.vector_load %arg11[%swap3A_120, %swap3A_121] {strides = array<i32>} : memref<128x128xf32, #tpu.memory_space<vmem>>, vector<1x16xf32>,
          %swap3A_123 = vector.shape_cast %swap3A_122 : vector<1x16xf32> to vector<16xf32>
          %swap3A_124 = vector.shape_cast %bitcast_convert_type3A_115 : vector<16xf32> to vector<1x16xf32>
          tpu.vector_store %arg11[%swap3A_120, %swap3A_121], %swap3A_124 {strides = array<i32>} : memref<128x128xf32, #tpu.memory_space<vmem>>, vector<1x16xf32>,
          %get3A_125 = arith.index_cast %add3A_104 : i32 to index
          %get3A_126 = arith.constant 16 : index
          %get3A_127 = tpu.vector_load %arg10[%get3A_125, %get3A_126] {strides = array<i32>} : memref<128x64xi32, #tpu.memory_space<vmem>>, vector<1x16xi32>,
          %get3A_128 = vector.shape_cast %get3A_127 : vector<1x16xi32> to vector<16xi32>
          %shift_left3A_129 = arith.constant 16 : i32
          %shift_left3A_130 = vector.broadcast %shift_left3A_129 : i32 to vector<16xi32>
          %shift_left3A_131 = arith.shli %get3A_128, %shift_left3A_130 : vector<16xi32>
          %bitcast_convert_type3A_132 = tpu.bitcast %shift_left3A_131 : vector<16xi32> -> vector<16xf32>
          %shift_right_logical3A_133 = arith.constant 16 : i32
          %shift_right_logical3A_134 = vector.broadcast %shift_right_logical3A_133 : i32 to vector<16xi32>
          %shift_right_logical3A_135 = arith.shrui %get3A_128, %shift_right_logical3A_134 : vector<16xi32>
          %shift_left3A_136 = arith.constant 16 : i32
          %shift_left3A_137 = vector.broadcast %shift_left3A_136 : i32 to vector<16xi32>
          %shift_left3A_138 = arith.shli %shift_right_logical3A_135, %shift_left3A_137 : vector<16xi32>
          %bitcast_convert_type3A_139 = tpu.bitcast %shift_left3A_138 : vector<16xi32> -> vector<16xf32>
          %swap3A_140 = arith.index_cast %add3A_104 : i32 to index
          %swap3A_141 = arith.constant 16 : index
          %swap3A_142 = tpu.vector_load %arg11[%swap3A_140, %swap3A_141] {strides = array<i32>} : memref<128x128xf32, #tpu.memory_space<vmem>>, vector<1x16xf32>,
          %swap3A_143 = vector.shape_cast %swap3A_142 : vector<1x16xf32> to vector<16xf32>
          %swap3A_144 = vector.shape_cast %bitcast_convert_type3A_132 : vector<16xf32> to vector<1x16xf32>
          tpu.vector_store %arg11[%swap3A_140, %swap3A_141], %swap3A_144 {strides = array<i32>} : memref<128x128xf32, #tpu.memory_space<vmem>>, vector<1x16xf32>,
          %swap3A_145 = arith.index_cast %add3A_104 : i32 to index
          %swap3A_146 = arith.constant 80 : index
          %swap3A_147 = tpu.vector_load %arg11[%swap3A_145, %swap3A_146] {strides = array<i32>} : memref<128x128xf32, #tpu.memory_space<vmem>>, vector<1x16xf32>,
          %swap3A_148 = vector.shape_cast %swap3A_147 : vector<1x16xf32> to vector<16xf32>
          %swap3A_149 = vector.shape_cast %bitcast_convert_type3A_139 : vector<16xf32> to vector<1x16xf32>
          tpu.vector_store %arg11[%swap3A_145, %swap3A_146], %swap3A_149 {strides = array<i32>} : memref<128x128xf32, #tpu.memory_space<vmem>>, vector<1x16xf32>,
          %get3A_150 = arith.index_cast %add3A_104 : i32 to index
          %get3A_151 = arith.constant 32 : index
          %get3A_152 = tpu.vector_load %arg10[%get3A_150, %get3A_151] {strides = array<i32>} : memref<128x64xi32, #tpu.memory_space<vmem>>, vector<1x16xi32>,
          %get3A_153 = vector.shape_cast %get3A_152 : vector<1x16xi32> to vector<16xi32>
          %shift_left3A_154 = arith.constant 16 : i32
          %shift_left3A_155 = vector.broadcast %shift_left3A_154 : i32 to vector<16xi32>
          %shift_left3A_156 = arith.shli %get3A_153, %shift_left3A_155 : vector<16xi32>
          %bitcast_convert_type3A_157 = tpu.bitcast %shift_left3A_156 : vector<16xi32> -> vector<16xf32>
          %shift_right_logical3A_158 = arith.constant 16 : i32
          %shift_right_logical3A_159 = vector.broadcast %shift_right_logical3A_158 : i32 to vector<16xi32>
          %shift_right_logical3A_160 = arith.shrui %get3A_153, %shift_right_logical3A_159 : vector<16xi32>
          %shift_left3A_161 = arith.constant 16 : i32
          %shift_left3A_162 = vector.broadcast %shift_left3A_161 : i32 to vector<16xi32>
          %shift_left3A_163 = arith.shli %shift_right_logical3A_160, %shift_left3A_162 : vector<16xi32>
          %bitcast_convert_type3A_164 = tpu.bitcast %shift_left3A_163 : vector<16xi32> -> vector<16xf32>
          %swap3A_165 = arith.index_cast %add3A_104 : i32 to index
          %swap3A_166 = arith.constant 32 : index
          %swap3A_167 = tpu.vector_load %arg11[%swap3A_165, %swap3A_166] {strides = array<i32>} : memref<128x128xf32, #tpu.memory_space<vmem>>, vector<1x16xf32>,
          %swap3A_168 = vector.shape_cast %swap3A_167 : vector<1x16xf32> to vector<16xf32>
          %swap3A_169 = vector.shape_cast %bitcast_convert_type3A_157 : vector<16xf32> to vector<1x16xf32>
          tpu.vector_store %arg11[%swap3A_165, %swap3A_166], %swap3A_169 {strides = array<i32>} : memref<128x128xf32, #tpu.memory_space<vmem>>, vector<1x16xf32>,
          %swap3A_170 = arith.index_cast %add3A_104 : i32 to index
          %swap3A_171 = arith.constant 96 : index
          %swap3A_172 = tpu.vector_load %arg11[%swap3A_170, %swap3A_171] {strides = array<i32>} : memref<128x128xf32, #tpu.memory_space<vmem>>, vector<1x16xf32>,
          %swap3A_173 = vector.shape_cast %swap3A_172 : vector<1x16xf32> to vector<16xf32>
          %swap3A_174 = vector.shape_cast %bitcast_convert_type3A_164 : vector<16xf32> to vector<1x16xf32>
          tpu.vector_store %arg11[%swap3A_170, %swap3A_171], %swap3A_174 {strides = array<i32>} : memref<128x128xf32, #tpu.memory_space<vmem>>, vector<1x16xf32>,
          %get3A_175 = arith.index_cast %add3A_104 : i32 to index
          %get3A_176 = arith.constant 48 : index
          %get3A_177 = tpu.vector_load %arg10[%get3A_175, %get3A_176] {strides = array<i32>} : memref<128x64xi32, #tpu.memory_space<vmem>>, vector<1x16xi32>,
          %get3A_178 = vector.shape_cast %get3A_177 : vector<1x16xi32> to vector<16xi32>
          %shift_left3A_179 = arith.constant 16 : i32
          %shift_left3A_180 = vector.broadcast %shift_left3A_179 : i32 to vector<16xi32>
          %shift_left3A_181 = arith.shli %get3A_178, %shift_left3A_180 : vector<16xi32>
          %bitcast_convert_type3A_182 = tpu.bitcast %shift_left3A_181 : vector<16xi32> -> vector<16xf32>
          %shift_right_logical3A_183 = arith.constant 16 : i32
          %shift_right_logical3A_184 = vector.broadcast %shift_right_logical3A_183 : i32 to vector<16xi32>
          %shift_right_logical3A_185 = arith.shrui %get3A_178, %shift_right_logical3A_184 : vector<16xi32>
          %shift_left3A_186 = arith.constant 16 : i32
          %shift_left3A_187 = vector.broadcast %shift_left3A_186 : i32 to vector<16xi32>
          %shift_left3A_188 = arith.shli %shift_right_logical3A_185, %shift_left3A_187 : vector<16xi32>
          %bitcast_convert_type3A_189 = tpu.bitcast %shift_left3A_188 : vector<16xi32> -> vector<16xf32>
          %swap3A_190 = arith.index_cast %add3A_104 : i32 to index
          %swap3A_191 = arith.constant 48 : index
          %swap3A_192 = tpu.vector_load %arg11[%swap3A_190, %swap3A_191] {strides = array<i32>} : memref<128x128xf32, #tpu.memory_space<vmem>>, vector<1x16xf32>,
          %swap3A_193 = vector.shape_cast %swap3A_192 : vector<1x16xf32> to vector<16xf32>
          %swap3A_194 = vector.shape_cast %bitcast_convert_type3A_182 : vector<16xf32> to vector<1x16xf32>
          tpu.vector_store %arg11[%swap3A_190, %swap3A_191], %swap3A_194 {strides = array<i32>} : memref<128x128xf32, #tpu.memory_space<vmem>>, vector<1x16xf32>,
          %swap3A_195 = arith.index_cast %add3A_104 : i32 to index
          %swap3A_196 = arith.constant 112 : index
          %swap3A_197 = tpu.vector_load %arg11[%swap3A_195, %swap3A_196] {strides = array<i32>} : memref<128x128xf32, #tpu.memory_space<vmem>>, vector<1x16xf32>,
          %swap3A_198 = vector.shape_cast %swap3A_197 : vector<1x16xf32> to vector<16xf32>
          %swap3A_199 = vector.shape_cast %bitcast_convert_type3A_189 : vector<16xf32> to vector<1x16xf32>
          tpu.vector_store %arg11[%swap3A_195, %swap3A_196], %swap3A_199 {strides = array<i32>} : memref<128x128xf32, #tpu.memory_space<vmem>>, vector<1x16xf32>,
        }
        %scan3A_99 = arith.constant 128 : i32
        "tpu.region"() ({
          %run_scoped3A = tpu.sem_alloc : memref<!tpu.dma_semaphore, #tpu.memory_space<semaphore_mem>>
          %dma_start3A_100 = arith.constant 0 : i32
          %dma_start3A_101 = tpu.memref_slice %arg8[%add3A_94, %dma_start3A_100] : memref<8x128xi32, #tpu.memory_space<vmem>> -> memref<1x128xi32, #tpu.memory_space<vmem>>
          %dma_start3A_102 = tpu.memref_squeeze %dma_start3A_101 : memref<1x128xi32, #tpu.memory_space<vmem>> -> memref<128xi32, #tpu.memory_space<vmem>>
          %dma_start3A_103 = arith.constant 0 : i32
          %dma_start3A_104 = arith.constant 0 : i32
          %dma_start3A_105 = tpu.memref_slice %arg12[%dma_start3A_103, %dma_start3A_104] : memref<10112x128xf32, #tpu.memory_space<vmem_shared>> -> memref<10112x128xf32, #tpu.memory_space<vmem_shared>>
          tpu.enqueue_indirect_dma source(%arg11 : memref<128x128xf32, #tpu.memory_space<vmem>>) target(%dma_start3A_105 : memref<10112x128xf32, #tpu.memory_space<vmem_shared>>) offsets(%dma_start3A_102 : memref<128xi32, #tpu.memory_space<vmem>>) semaphore(%run_scoped3A : memref<!tpu.dma_semaphore, #tpu.memory_space<semaphore_mem>>) {add = true}
          %dma_wait3A_106 = arith.constant 0 : i32
          %dma_wait3A_107 = tpu.memref_slice %arg8[%add3A_94, %dma_wait3A_106] : memref<8x128xi32, #tpu.memory_space<vmem>> -> memref<1x128xi32, #tpu.memory_space<vmem>>
          %dma_wait3A_108 = tpu.memref_squeeze %dma_wait3A_107 : memref<1x128xi32, #tpu.memory_space<vmem>> -> memref<128xi32, #tpu.memory_space<vmem>>
          %dma_wait3A_109 = arith.constant 0 : i32
          %dma_wait3A_110 = arith.constant 0 : i32
          %dma_wait3A_111 = tpu.memref_slice %arg12[%dma_wait3A_109, %dma_wait3A_110] : memref<10112x128xf32, #tpu.memory_space<vmem_shared>> -> memref<10112x128xf32, #tpu.memory_space<vmem_shared>>
          tpu.wait_indirect_dma semaphore(%run_scoped3A : memref<!tpu.dma_semaphore, #tpu.memory_space<semaphore_mem>>) src(%arg11 : memref<128x128xf32, #tpu.memory_space<vmem>>) dst(%dma_wait3A_111 : memref<10112x128xf32, #tpu.memory_space<vmem_shared>>)
          tpu.yield
        }) : () -> ()
      }
      %scan3A_45 = arith.constant 4 : i32
      %dma_wait3A = arith.constant 0 : i32
      %dma_wait3A_46 = arith.constant 0 : i32
      %dma_wait3A_47 = tpu.memref_slice %arg7[%dma_wait3A, %dma_wait3A_46] : memref<8x128xi32, #tpu.memory_space<vmem>> -> memref<1x128xi32, #tpu.memory_space<vmem>>
      %dma_wait3A_48 = tpu.memref_squeeze %dma_wait3A_47 : memref<1x128xi32, #tpu.memory_space<vmem>> -> memref<128xi32, #tpu.memory_space<vmem>>
      %dma_wait3A_49 = arith.constant 0 : i32
      %dma_wait3A_50 = arith.constant 0 : i32
      %dma_wait3A_51 = tpu.memref_slice %arg2[%dma_wait3A_49, %dma_wait3A_50] : memref<10008x64xi32, #tpu.memory_space<hbm>> -> memref<10008x64xi32, #tpu.memory_space<hbm>>
      tpu.wait_indirect_dma semaphore(%arg13 : memref<!tpu.dma_semaphore, #tpu.memory_space<semaphore_mem>>) src(%dma_wait3A_51 : memref<10008x64xi32, #tpu.memory_space<hbm>>) dst(%arg9 : memref<128x64xi32, #tpu.memory_space<vmem>>)
    }
    %barrier3A_28 = arith.constant 0 : index
    tpu.barrier barrier_id(%barrier3A_28)
    "tpu.region"() ({
      %run_scoped3A = tpu.sem_alloc : memref<!tpu.dma_semaphore, #tpu.memory_space<semaphore_mem>>
      %dma_start3A = arith.constant 0 : i32
      %dma_start3A_29 = arith.constant 0 : i32
      %dma_start3A_30 = tpu.memref_slice %arg6[%arg0, %dma_start3A, %dma_start3A_29] : memref<2x10112x128xf32, #tpu.memory_space<hbm>> -> memref<1x10112x128xf32, #tpu.memory_space<hbm>>
      %dma_start3A_31 = tpu.memref_squeeze %dma_start3A_30 : memref<1x10112x128xf32, #tpu.memory_space<hbm>> -> memref<10112x128xf32, #tpu.memory_space<hbm>>
      %dma_start3A_32 = arith.constant 0 : i32
      %dma_start3A_33 = tpu.memref_slice %dma_start3A_31[%multiple_of3A, %dma_start3A_32] : memref<10112x128xf32, #tpu.memory_space<hbm>> -> memref<632x128xf32, #tpu.memory_space<hbm>>
      %dma_start3A_34 = arith.constant 0 : i32
      %dma_start3A_35 = tpu.memref_slice %arg12[%multiple_of3A, %dma_start3A_34] : memref<10112x128xf32, #tpu.memory_space<vmem_shared>> -> memref<632x128xf32, #tpu.memory_space<vmem_shared>>
      tpu.enqueue_dma source(%dma_start3A_35 : memref<632x128xf32, #tpu.memory_space<vmem_shared>>) target(%dma_start3A_33 : memref<632x128xf32, #tpu.memory_space<hbm>>) target_semaphore(%run_scoped3A : memref<!tpu.dma_semaphore, #tpu.memory_space<semaphore_mem>>)
      %dma_wait3A = arith.constant 0 : i32
      %dma_wait3A_36 = arith.constant 0 : i32
      %dma_wait3A_37 = tpu.memref_slice %arg6[%arg0, %dma_wait3A, %dma_wait3A_36] : memref<2x10112x128xf32, #tpu.memory_space<hbm>> -> memref<1x10112x128xf32, #tpu.memory_space<hbm>>
      %dma_wait3A_38 = tpu.memref_squeeze %dma_wait3A_37 : memref<1x10112x128xf32, #tpu.memory_space<hbm>> -> memref<10112x128xf32, #tpu.memory_space<hbm>>
      %dma_wait3A_39 = arith.constant 0 : i32
      %dma_wait3A_40 = tpu.memref_slice %dma_wait3A_38[%multiple_of3A, %dma_wait3A_39] : memref<10112x128xf32, #tpu.memory_space<hbm>> -> memref<632x128xf32, #tpu.memory_space<hbm>>
      %dma_wait3A_41 = arith.constant 0 : i32
      %dma_wait3A_42 = tpu.memref_slice %arg12[%multiple_of3A, %dma_wait3A_41] : memref<10112x128xf32, #tpu.memory_space<vmem_shared>> -> memref<632x128xf32, #tpu.memory_space<vmem_shared>>
      tpu.wait_dma2 semaphore(%run_scoped3A : memref<!tpu.dma_semaphore, #tpu.memory_space<semaphore_mem>>) src(%dma_wait3A_42 : memref<632x128xf32, #tpu.memory_space<vmem_shared>>) dst(%dma_wait3A_40 : memref<632x128xf32, #tpu.memory_space<hbm>>)
      tpu.yield
    }) : () -> ()
    return
  }
}

module attributes {stable_mosaic.version = 14 : i64} {
  func.func @body(%arg0: i32, %arg1: memref<1000x128xf32, #tpu.memory_space<vmem>>, %arg2: memref<1000x128xf32, #tpu.memory_space<vmem>>, %arg3: memref<1000x128xf32, #tpu.memory_space<vmem>>, %arg4: memref<128x128xf32, #tpu.memory_space<vmem>>, %arg5: memref<128x128xf32, #tpu.memory_space<vmem>>, %arg6: memref<1x128xf32, #tpu.memory_space<vmem>>, %arg7: memref<1000x128xf32, #tpu.memory_space<vmem>>) attributes {dimension_semantics = [#tpu.dimension_semantics<arbitrary>], iteration_bounds = array<i64: 10>, scalar_prefetch = 0 : i64, scratch_operands = 0 : i64, tpu.core_type = #tpu.core_type<tc>, window_params = [{transform_indices = @transform_0, window_bounds = array<i64: 1000, 128>}, {transform_indices = @transform_1, window_bounds = array<i64: 1000, 128>}, {transform_indices = @transform_2, window_bounds = array<i64: 1000, 128>}, {pipeline_mode = #tpu.pipeline_mode<synchronous>, transform_indices = @transform_3, window_bounds = array<i64: 128, 128>}, {pipeline_mode = #tpu.pipeline_mode<synchronous>, transform_indices = @transform_4, window_bounds = array<i64: 128, 128>}, {pipeline_mode = #tpu.pipeline_mode<synchronous>, transform_indices = @transform_5, window_bounds = array<i64: 1, 128>}, {transform_indices = @transform_6, window_bounds = array<i64: 1000, 128>}]} {
    %get3A = arith.constant 0 : index
    %get3A_0 = arith.constant 0 : index
    %get3A_1 = vector.load %arg2[%get3A, %get3A_0] : memref<1000x128xf32, #tpu.memory_space<vmem>>, vector<1000x128xf32>
    %get3A_2 = arith.constant 0 : index
    %get3A_3 = arith.constant 0 : index
    %get3A_4 = vector.load %arg3[%get3A_2, %get3A_3] : memref<1000x128xf32, #tpu.memory_space<vmem>>, vector<1000x128xf32>
    %add3A = arith.addf %get3A_1, %get3A_4 : vector<1000x128xf32>
    %get3A_5 = arith.constant 0 : index
    %get3A_6 = arith.constant 0 : index
    %get3A_7 = vector.load %arg4[%get3A_5, %get3A_6] : memref<128x128xf32, #tpu.memory_space<vmem>>, vector<128x128xf32>
    %dot_general3A = arith.constant dense<0.000000e+00> : vector<1000x128xf32>
    %dot_general3A_8 = tpu.matmul %add3A, %get3A_7, %dot_general3A {dimension_numbers = #tpu.dot_dimension_numbers<[1], [0], [0], [1], [0, 0, 1, 1], [], []>, transpose_lhs_hint = false} : vector<1000x128xf32>, vector<128x128xf32>, vector<1000x128xf32> -> vector<1000x128xf32>
    %get3A_9 = arith.constant 0 : index
    %get3A_10 = arith.constant 0 : index
    %get3A_11 = vector.load %arg6[%get3A_9, %get3A_10] : memref<1x128xf32, #tpu.memory_space<vmem>>, vector<1x128xf32>
    %add3A_12 = vector.broadcast %get3A_11 : vector<1x128xf32> to vector<1000x128xf32>
    %add3A_13 = arith.addf %dot_general3A_8, %add3A_12 : vector<1000x128xf32>
    %tanh3A = math.tanh %add3A_13 : vector<1000x128xf32>
    %get3A_14 = arith.constant 0 : index
    %get3A_15 = arith.constant 0 : index
    %get3A_16 = vector.load %arg1[%get3A_14, %get3A_15] : memref<1000x128xf32, #tpu.memory_space<vmem>>, vector<1000x128xf32>
    %get3A_17 = arith.constant 0 : index
    %get3A_18 = arith.constant 0 : index
    %get3A_19 = vector.load %arg5[%get3A_17, %get3A_18] : memref<128x128xf32, #tpu.memory_space<vmem>>, vector<128x128xf32>
    %dot_general3A_20 = arith.constant dense<0.000000e+00> : vector<1000x128xf32>
    %dot_general3A_21 = tpu.matmul %get3A_16, %get3A_19, %dot_general3A_20 {dimension_numbers = #tpu.dot_dimension_numbers<[1], [0], [0], [1], [0, 0, 1, 1], [], []>, transpose_lhs_hint = false} : vector<1000x128xf32>, vector<128x128xf32>, vector<1000x128xf32> -> vector<1000x128xf32>
    %add3A_22 = arith.addf %tanh3A, %dot_general3A_21 : vector<1000x128xf32>
    %swap3A = arith.constant 0 : index
    %swap3A_23 = arith.constant 0 : index
    %swap3A_24 = vector.load %arg7[%swap3A, %swap3A_23] : memref<1000x128xf32, #tpu.memory_space<vmem>>, vector<1000x128xf32>
    tpu.vector_store %arg7[%swap3A, %swap3A_23], %add3A_22 {strides = array<i32>} : memref<1000x128xf32, #tpu.memory_space<vmem>>, vector<1000x128xf32>,
    return
  }
  func.func @transform_0(%arg0: i32) -> (i32, i32) {
    %c0_i32 = arith.constant 0 : i32
    %c0_i32_0 = arith.constant 0 : i32
    return %arg0, %c0_i32 : i32, i32
  }
  func.func @transform_1(%arg0: i32) -> (i32, i32) {
    %c0_i32 = arith.constant 0 : i32
    %c0_i32_0 = arith.constant 0 : i32
    return %arg0, %c0_i32 : i32, i32
  }
  func.func @transform_2(%arg0: i32) -> (i32, i32) {
    %c0_i32 = arith.constant 0 : i32
    %c0_i32_0 = arith.constant 0 : i32
    return %arg0, %c0_i32 : i32, i32
  }
  func.func @transform_3(%arg0: i32) -> (i32, i32) {
    %c0_i32 = arith.constant 0 : i32
    %c0_i32_0 = arith.constant 0 : i32
    %c0_i32_1 = arith.constant 0 : i32
    return %c0_i32, %c0_i32_0 : i32, i32
  }
  func.func @transform_4(%arg0: i32) -> (i32, i32) {
    %c0_i32 = arith.constant 0 : i32
    %c0_i32_0 = arith.constant 0 : i32
    %c0_i32_1 = arith.constant 0 : i32
    return %c0_i32, %c0_i32_0 : i32, i32
  }
  func.func @transform_5(%arg0: i32) -> (i32, i32) {
    %c0_i32 = arith.constant 0 : i32
    %c0_i32_0 = arith.constant 0 : i32
    %c0_i32_1 = arith.constant 0 : i32
    return %c0_i32, %c0_i32_0 : i32, i32
  }
  func.func @transform_6(%arg0: i32) -> (i32, i32) {
    %c0_i32 = arith.constant 0 : i32
    %c0_i32_0 = arith.constant 0 : i32
    return %arg0, %c0_i32 : i32, i32
  }
}

</mosaic_0001>

<sc_bundles>
// kernel: kernel.4.cloned.1.call-start
scs
__scs_entry_jumppad:
0x0: {  	(pc) =	sbr.rel $0x88, $3  }
0x1: {  	(tag) =	ssettag $0x0;
	lr =	simm.s32 $0x1  }
0x2: {  	[smem:$0x3F9C] =	sst lr;
	_ =	strace $0xD0000000  }
0x3: {  	_ = 	snop  }
0x4: {  	_ = 	snop  }
0x5: {  	_ = 	snop  }
0x6: {  	_ = 	snop  }
0x7: {  	_ = 	snop  }
__scs_overlays_trampoline_lowered:
0x8: {  	[smem:$0x3FAB] =	sst s0  }
0x9: {  	[smem:$0x3FAC] =	sst s1  }
0xa: {  	[smem:$0x3FAD] =	sst s2  }
0xb: {  	[smem:$0x3FAE] =	sst s3  }
0xc: {  	[smem:$0x3FAF] =	sst s4  }
0xd: {  	[smem:$0x3FB0] =	sst s5  }
0xe: {  	[smem:$0x3FB1] =	sst s6  }
0xf: {  	[smem:$0x3FB2] =	sst s7  }
0x10: {  	[smem:$0x3FB3] =	sst s8  }
0x11: {  	[smem:$0x3FB4] =	sst s9;
	s0 =	simm.s32 @!p0 $0x0  }
0x12: {  	s1 =	sld [smem:$0x3F9A];
	s0 =	simm.s32 @p0 $0x1  }
0x13: {  	[smem:$0x3FB5] =	sst s0;
	s0 =	simm.s32 @!p1 $0x0  }
0x14: {  	s2 =	sld [smem:$0x3F99];
	s0 =	simm.s32 @p1 $0x1  }
0x15: {  	[smem:$0x3FB6] =	sst s0;
	s0 =	simm.s32 @!p2 $0x0  }
0x16: {  	s3 =	sld [smem:$0x3FDB];
	s0 =	simm.s32 @p2 $0x1  }
0x17: {  	s4 =	simm.s32 $0x1BF5;
	[smem:$0x3FB8] =	sst s0  }
0x18: {  	s0 =	sld [smem:$0x3F9B];
	_ =	swait.ge [sflag:s4], $0x0  }
0x19: {  	s7 =	sld [smem:$0x3F9C]  }
0x1a: {  	s8 =	sadd.s32 $0xFFFFE003, lr  }
0x1b: {  	s9 =	sadd.s32 $0xFFFFFEF7, lr;
	s5 =	simm.s32 $0xFFFFFFFF;
	p2 =	slt.u32 s8, $0xFFFFF086  }
0x1c: {  	p1 =	slt.u32 s9, $0xF7A;
	s5 =	simm.s32 @!p2 $0x0  }
0x1d: {  	s5 =	simm.s32 @p1 $0x1;
	p0 =	seq.s32 s7, s2  }
0x1e: {  	s7 =	smul.u32 @!p0 $0xF7A, s2;
	p2 =	seq.s32 @!p0 s5, $0x0  }
0x1f: {  	s9 =	smul.u32 $0xF7A, s1;
	s8 =	simm.s32 @!p0 $0x1BF5;
	p2 =	por !p2, p0  }
0x20: {  	[sflag:s8] =	ssyncset.s32 @!p0 $0xFFFFF086;
	s6 =	sadd.s32 @!p0 s3, s7;
	s7 =	simm.s32 @!p0 $0x108  }
0x21: {  	s3 =	sadd.s32 s3, s9;
	s6 =	sadd.s32 @!p0 $0x88, s6;
	s7 =	simm.s32 @p2 $0x1082  }
0x22: {  	[simem:s7], [sflag:s8] =	dma.local @!p0 [hbm:s6], $0xF7A  }
0x23: {  	s9 =	sor.u32 $0xD0000000, s2;
	s6 =	simm.s32 $0x108;
	_ =	swait.ge @!p0 [sflag:s8], $0x0  }
0x24: {  	s3 =	sadd.s32 $0x88, s3;
	s6 =	simm.s32 @!p1 $0x1082;
	[sflag:s4] =	ssyncset.s32 $0xFFFFF086  }
0x25: {  	[simem:s6], [sflag:s4] =	dma.local [hbm:s3], $0xF7A  }
0x26: {  	[smem:$0x3F9C] =	sst s1;
	(tag) =	ssettag s2;
	_ =	strace s9  }
0x27: {  	s1 =	sld [smem:$0x3FAC]  }
0x28: {  	s2 =	sld [smem:$0x3FAD]  }
0x29: {  	s4 =	sld [smem:$0x3FAF]  }
0x2a: {  	p0 =	seq.s32 s5, $0x0;
	s5 =	sld [smem:$0x3FB0]  }
0x2b: {  	s6 =	sld [smem:$0x3FB1]  }
0x2c: {  	s7 =	sld [smem:$0x3FB2]  }
0x2d: {  	s3 =	simm.s32 $0x108;
	s8 =	sld [smem:$0x3FB3]  }
0x2e: {  	s3 =	simm.s32 @!p0 $0x1082;
	s9 =	sld [smem:$0x3FB4]  }
0x2f: {  	lr =	sadd.s32 s0, s3;
	s0 =	sld [smem:$0x3FAB]  }
0x30: {  	s3 =	sld [smem:$0x3FAE]  }
0x31: {  	[smem:$0x3FB7] =	sst s10  }
0x32: {  	s10 =	sld [smem:$0x3FB5];
	_ =	sdelay $0x3  }
0x33: {  	p0 =	seq.s32 s10, $0x1;
	s10 =	sld [smem:$0x3FB7];
	_ =	sdelay $0x3  }
0x34: {  	[smem:$0x3FB7] =	sst s10  }
0x35: {  	s10 =	sld [smem:$0x3FB6];
	_ =	sdelay $0x3  }
0x36: {  	p1 =	seq.s32 s10, $0x1;
	s10 =	sld [smem:$0x3FB7];
	_ =	sdelay $0x3  }
0x37: {  	[smem:$0x3FB7] =	sst s10  }
0x38: {  	s10 =	sld [smem:$0x3FB8]  }
0x39: {  	_ = 	snop;
	(pc) =	sbr.ind lr, $3  }
0x3a: {  	_ = 	snop  }
0x3b: {  	_ = 	snop  }
0x3c: {  	p2 =	seq.s32 s10, $0x1;
	s10 =	sld [smem:$0x3FB7]  }
0x3d: {  	_ =	shalt  }
0x3e: {  	_ =	shalt  }
0x3f: {  	_ =	shalt  }
0x40: {  	_ =	shalt  }
0x41: {  	_ =	shalt  }
0x42: {  	_ =	shalt  }
0x43: {  	_ =	shalt  }
0x44: {  	_ =	shalt  }
0x45: {  	_ =	shalt  }
0x46: {  	_ =	shalt  }
0x47: {  	_ =	shalt  }
0x48: {  	_ =	shalt  }
0x49: {  	_ =	shalt  }
0x4a: {  	_ =	shalt  }
0x4b: {  	_ =	shalt  }
0x4c: {  	_ =	shalt  }
0x4d: {  	_ =	shalt  }
0x4e: {  	_ =	shalt  }
0x4f: {  	_ =	shalt  }
0x50: {  	_ =	shalt  }
0x51: {  	_ =	shalt  }
0x52: {  	_ =	shalt  }
0x53: {  	_ =	shalt  }
0x54: {  	_ =	shalt  }
0x55: {  	_ =	shalt  }
0x56: {  	_ =	shalt  }
0x57: {  	_ =	shalt  }
0x58: {  	_ =	shalt  }
0x59: {  	_ =	shalt  }
0x5a: {  	_ =	shalt  }
0x5b: {  	_ =	shalt  }
0x5c: {  	_ =	shalt  }
0x5d: {  	_ =	shalt  }
0x5e: {  	_ =	shalt  }
0x5f: {  	_ =	shalt  }
0x60: {  	_ =	shalt  }
0x61: {  	_ =	shalt  }
0x62: {  	_ =	shalt  }
0x63: {  	_ =	shalt  }
0x64: {  	_ =	shalt  }
0x65: {  	_ =	shalt  }
0x66: {  	_ =	shalt  }
0x67: {  	_ =	shalt  }
0x68: {  	_ =	shalt  }
0x69: {  	_ =	shalt  }
0x6a: {  	_ =	shalt  }
0x6b: {  	_ =	shalt  }
0x6c: {  	_ =	shalt  }
0x6d: {  	_ =	shalt  }
0x6e: {  	_ =	shalt  }
0x6f: {  	_ =	shalt  }
0x70: {  	_ =	shalt  }
0x71: {  	_ =	shalt  }
0x72: {  	_ =	shalt  }
0x73: {  	_ =	shalt  }
0x74: {  	_ =	shalt  }
0x75: {  	_ =	shalt  }
0x76: {  	_ =	shalt  }
0x77: {  	_ =	shalt  }
0x78: {  	_ =	shalt  }
0x79: {  	_ =	shalt  }
0x7a: {  	_ =	shalt  }
0x7b: {  	_ =	shalt  }
0x7c: {  	_ =	shalt  }
0x7d: {  	_ =	shalt  }
0x7e: {  	_ =	shalt  }
0x7f: {  	_ =	shalt  }
0x80: {  	_ =	shalt  }
0x81: {  	_ =	shalt  }
0x82: {  	_ =	shalt  }
0x83: {  	_ =	shalt  }
0x84: {  	_ =	shalt  }
0x85: {  	_ =	shalt  }
0x86: {  	_ =	shalt  }
0x87: {  	_ =	shalt  }
.Lfunc_end0:
.L_simem_size_0:
called_computation_lowered:
.L_overlay_start_0:
0x88: {  	s2 =	sld [smem:$0x3FD9]  }
0x89: {  	s3 =	sld [smem:$0x3FFE];
	_ =	sdelay $0x1  }
0x8a: {  	s1 =	srdreg.scid  }
0x8b: {  	s0 =	sand.u32 $0x1, s1  }
0x8c: {  	s17 =	sshll.u32 s0, $0xA;
	s2 =	sadd.s32 s3, s2  }
0x8d: {  	s2 =	sadd.s32 s2, s17  }
0x8e: {  	[smem:$0x3FC3] =	sst s2  }
0x8f: {  	_ = 	snop  }
0x90: {  	s2 =	sld [smem:$0x3FD0];
	(tm) =	ssettm $0x1  }
0x91: {  	s18 =	sld [smem:$0x3FFB];
	_ =	sdelay $0x3  }
0x92: {  	_ =	strace s18  }
0x93: {  	s3 =	sld [smem:$0x3FFC];
	_ =	sdelay $0x3  }
0x94: {  	_ =	strace s3  }
0x95: {  	s3 =	sld [smem:$0x3FFD];
	_ =	sdelay $0x3  }
0x96: {  	_ =	strace s3  }
0x97: {  	_ =	strace $0x8FFFFFFF  }
0x98: {  	s19 =	sld [smem:$0x3FDB];
	_ =	sdelay $0x1  }
0x99: {  	s4 =	simm.s32 $_scs_section_size  }
0x9a: {  	s5 =	simm.s32 $_size__tile_overlayer_lowered;
	s6 =	simm.s32 $_tile_overlayer_lowered  }
0x9b: {  	s22 =	simm.s32 $0x1BFF;
	s21 =	sshll.u32 s6, $0x1;
	s3 =	sadd.s32 s4, s19  }
0x9c: {  	s7 =	simm.s32 $0x0;
	s20 =	sshll.u32 s5, $0x1;
	s5 =	sadd.s32 s21, s3  }
0x9d: {  	[timem:s7], [sflag:s22] =	dma.local [hbm:s5], s20  }
0x9e: {  	_ =	swait.ge [sflag:s22], s20  }
0x9f: {  	s4 =	ssub.s32 $0x0, s20;
	[sflag:s22] =	ssyncset.done $0x0  }
0xa0: {  	[sflag:s22] =	ssyncadd.s32 s4;
	_ =	sdelay $0x1  }
0xa1: {  	s23 =	simm.s32 $0x1B8B  }
0xa2: {  	_ =	swait.ge [sflag:s23], $0x1  }
0xa3: {  	[sflag:s23] =	ssyncset.done $0x0  }
0xa4: {  	s25 =	simm.s32 $0x1B8E;
	s24 =	sld [smem:$0x3FFE];
	[sflag:s23] =	ssyncadd.s32 $0xFFFFFFFF  }
0xa5: {  	s26 =	simm.s32 $execute0_lowered;
	[smem:$0x3FD2] =	sst s25  }
0xa6: {  	s5 =	sshll.u32 s26, $0x1;
	_ =	strace $0x80000046;
	[dreg:$0x1] =	wrdreg $0xFFFFFFFF  }
0xa7: {  	s28 =	simm.s32 $_size_execute0_lowered;
	s3 =	sadd.s32 s3, s5;
	[dreg:$0x0] =	wrdreg $0x0  }
0xa8: {  	s5 =	sshll.u32 s28, $0x1;
	[dreg:$0x2] =	wrdreg s3  }
0xa9: {  	[dreg:$0x3] =	wrdreg s5  }
0xaa: {  	[dreg:$0x4] =	wrdreg $0xC0  }
0xab: {  	_ =	task [dreg:s7], $0x5FFFF  }
0xac: {  	[dreg:$0x1] =	wrdreg $0xFFFFFFFF  }
0xad: {  	[dreg:$0x0] =	wrdreg $0x60  }
0xae: {  	[dreg:$0x2] =	wrdreg s2  }
0xaf: {  	[dreg:$0x3] =	wrdreg s24  }
0xb0: {  	[dreg:$0x4] =	wrdreg $0x88000  }
0xb1: {  	[dreg:$0x5] =	wrdreg $0x9  }
0xb2: {  	_ =	task.clear_ibuf [dreg:s7], $0x6FFFF;
	_ =	strace $0x90000046  }
0xb3: {  	s29 =	simm.s32 $0x9;
	_ =	strace $0x80000048  }
0xb4: {  	_ =	swait.ge [sflag:s29], $0x1  }
0xb5: {  	[sflag:s29] =	ssyncadd.s32 $0xFFFFFFFF  }
0xb6: {  	_ =	strace $0x90000048  }
0xb7: {  	_ =	sfence  }
0xb8: {  	s30 =	sld [smem:$0x0];
	_ =	sdelay $0x2  }
0xb9: {  	s31 =	sshll.u32 s1, $0xD;
	s1 =	sshrl.u32 s1, $0x2  }
0xba: {  	s3 =	sand.u32 $0x4000, s31;
	s1 =	sadd.s32 s1, s30  }
0xbb: {  	s0 =	sor.u32 s3, s0;
	s1 =	sshll.u32 s1, $0x11  }
0xbc: {  	s0 =	sor.u32 s1, s0  }
0xbd: {  	s0 =	sadd.s32 $0x8F2B, s0  }
0xbe: {  	[sflag:s0] =	ssyncadd.remote.s32 $0x1  }
0xbf: {  	_ =	sfence.sel $0xFFFF  }
0xc0: {  	[dreg:$0x0] =	wrdreg $0xFFFFFFFF;
	(pc) =	sbr.abs _section_cstart, $3  }
0xc1: {  	[dreg:$0x1] =	wrdreg $0xFFFFFFFF  }
0xc2: {  	_ =	task.clear_ibuf [dreg:s7], $0x2FFFF;
	_ =	strace $0x9FFFFFFF  }
0xc3: {  	(tm) =	ssettm $0x7FFFFFFF  }
tec
execute0_lowered:
.L_overlay_start_1:
0x0: {  	(tag) =	ssettag $0x1  }
0x1: {  	s1 =	rddreg [dreg:$0x0]  }
0x2: {  	s7 =	rddreg [dreg:$0x1]  }
0x3: {  	s3 =	rddreg [dreg:$0x2]  }
0x4: {  	s0 =	rddreg [dreg:$0x3]  }
0x5: {  	s4 =	simm.s32 $0x0;
	s2 =	stileid.u32;
	s9 =	srdreg.scid  }
0x6: {  	s15 =	simm.s32 $0x800;
	s16 =	simm.s32 $0x1;
	s17 =	simm.s32 $0x2800  }
0x7: {  	s18 =	simm.s32 $0x4800;
	s19 =	simm.s32 $0x2;
	[smem:$0x7FF] =	sst s4  }
0x8: {  	s8 =	smul.u32 $0x13C00, s2;
	s5 =	sadd.s32 $0xAA00, s7;
	s6 =	sadd.s32 $0xA00, s7  }
0x9: {  	s9 =	sand.u32 $0x1, s9;
	s14 =	smul.u32 $0x2800, s2;
	s31 =	sshll.u32 s2, $0x6  }
0xa: {  	_ =	strace $0x80000047;
	s10 =	smul.u32 $0x27800, s9;
	s11 =	ssub.s32 $0x2, s9  }
0xb: {  	p0 =	seq.s32 s9, $0x0;
	s9 =	sor.u32 $0x1C03, s31;
	s20 =	sshrl.u32 s8, $0x3  }
0xc: {  	s13 =	sshrl.u32 s11, $0x1;
	s30 =	sadd.s32 s8, s3;
	s12 =	sadd.s32 s20, s7  }
0xd: {  	s10 =	sadd.s32 s10, s7;
	s11 =	ssub.s32 s11, s13;
	s7 =	sadd.s32 $0x28000, s14  }
0xe: {  	s13 =	simm.s32 $0x400;
	s8 =	sadd.s32 $0x14A00, s12;
	s7 =	smov.u32 @p0 s14  }
0xf: {  	s21 =	sadd.s32 $0x3C200, s10;
	s10 =	smax.u32 s11, $0x1;
	s11 =	sshrl.u32 s30, $0x3  }
0x10: {  	s12 =	simm.s32 $0x3;
	s14 =	simm.s32 $0x80;
	s20 =	sadd.s32 s20, s21  }
.LBB2_1:
0x11: {  	[spmem:s11], [sflag:s9] =	dma.local [hbm:s8], $0x2780  }
0x12: {  	_ =	swait.ge [sflag:s12], $0x2780  }
0x13: {  	[sflag:s12] =	ssyncset.done $0x0  }
0x14: {  	[sflag:s12] =	ssyncadd.s32 $0xFFFFD880  }
0x15: {  	s21 =	simm.s32 $0x0;
	[bflag:$0x0] =	sbarrier.arrive $0xFFFF  }
.LBB2_2:
0x16: {  	s22 =	sshll.u32 s21, $0xA  }
0x17: {  	s22 =	sadd.s32 s7, s22  }
0x18: {  	s23 =	sshrl.u32 s22, $0x3  }
0x19: {  	s22 =	simm.s32 $0x0;
	s24 =	sadd.s32 s5, s23  }
0x1a: {  	[tilespmem:s22], [sflag:$0x3] =	stream.linear.gather [hbm4b:s24+s22], $0x400, $0x38;
	[tilespmem:$0x1C400] =	vst v63  }
0x1b: {  	_ =	swait.ge [sflag:s12], $0x400  }
0x1c: {  	[sflag:s12] =	ssyncset.done $0x0  }
0x1d: {  	s23 =	sadd.s32 s6, s23;
	[sflag:s12] =	ssyncadd.s32 $0xFFFFFC00  }
0x1e: {  	[tilespmem:s13], [sflag:$0x3] =	stream.linear.gather [hbm4b:s23+s22], $0x400, $0x38;
	[tilespmem:$0x1C400] =	vst v63  }
0x1f: {  	_ =	swait.ge [sflag:s12], $0x400  }
0x20: {  	[sflag:s12] =	ssyncset.done $0x0  }
0x21: {  	[sflag:s12] =	ssyncadd.s32 $0xFFFFFC00  }
0x22: {  	[tilespmem:s15], [sflag:$0x1] =	stream.indirect.gather [hbm4b:s1+s14], $0x40, s22, s14, $0xb8;
	[tilespmem:$0x1C400] =	vst v63  }
.LBB2_3:
0x23: {  	_ =	swait.ge [sflag:s16], $0x2000;
	s24 =	sshll.u32 s22, $0xA  }
0x24: {  	[sflag:s16] =	ssyncset.done $0x0;
	s23 =	sor.u32 $0x200, s24  }
0x25: {  	s26 =	simm.s32 $0x0;
	[sflag:s16] =	ssyncadd.s32 $0xFFFFE000;
	s23 =	sshrl.u32 s23, $0x2  }
0x26: {  	[tilespmem:s17], [sflag:$0x2] =	stream.indirect.gather [hbm4b:s1+s14], $0x40, s23, s14, $0xb8;
	[tilespmem:$0x1C400] =	vst v63  }
0x27: {  	v0 =	vld [tilespmem:s26+$0x800];
	_ =	sdelay $0x4  }
0x28: {  	s25 =	simm.s32 $0x4840;
	v1 =	vshll.u32 v0, $0x10  }
0x29: {  	v0 =	vand.u32 $0xFFFF0000, v0;
	[tilespmem:s25+$0xFFFFFFC0] =	vst v1  }
0x2a: {  	[tilespmem:s25+$0x0] =	vst v0  }
0x2b: {  	v0 =	vld [tilespmem:s26+$0x810];
	_ =	sdelay $0x4  }
0x2c: {  	v1 =	vshll.u32 v0, $0x10  }
0x2d: {  	v0 =	vand.u32 $0xFFFF0000, v0;
	[tilespmem:s25+$0xFFFFFFD0] =	vst v1  }
0x2e: {  	[tilespmem:s25+$0x10] =	vst v0  }
0x2f: {  	v0 =	vld [tilespmem:s26+$0x820];
	_ =	sdelay $0x4  }
0x30: {  	v1 =	vand.u32 $0xFFFF0000, v0  }
0x31: {  	v0 =	vshll.u32 v0, $0x10;
	[tilespmem:s25+$0x20] =	vst v1  }
0x32: {  	[tilespmem:s25+$0xFFFFFFE0] =	vst v0  }
0x33: {  	v0 =	vld [tilespmem:s26+$0x830];
	_ =	sdelay $0x4  }
0x34: {  	v1 =	vshll.u32 v0, $0x10  }
0x35: {  	v0 =	vand.u32 $0xFFFF0000, v0;
	[tilespmem:s25+$0xFFFFFFF0] =	vst v1  }
0x36: {  	s26 =	simm.s32 $0x40;
	[tilespmem:s25+$0x30] =	vst v0  }
0x37: {  	v0 =	vld [tilespmem:s26+$0x800]  }
0x38: {  	s28 =	simm.s32 $0x200  }
.LBB2_4:
0x39: {  	p0 =	sne.s32 s28, $0x7F00;
	_ =	sdelay $0x2  }
0x3a: {  	s25 =	sadd.s32 $0x80, s25;
	v1 =	vshll.u32 v0, $0x10  }
0x3b: {  	v0 =	vand.u32 $0xFFFF0000, v0;
	[tilespmem:s25+$0xFFFFFFC0] =	vst v1  }
0x3c: {  	[tilespmem:s25+$0x0] =	vst v0  }
0x3d: {  	v0 =	vld [tilespmem:s26+$0x810];
	_ =	sdelay $0x4  }
0x3e: {  	v1 =	vshll.u32 v0, $0x10  }
0x3f: {  	v0 =	vand.u32 $0xFFFF0000, v0;
	[tilespmem:s25+$0xFFFFFFD0] =	vst v1  }
0x40: {  	[tilespmem:s25+$0x10] =	vst v0  }
0x41: {  	v0 =	vld [tilespmem:s26+$0x820];
	_ =	sdelay $0x4  }
0x42: {  	v1 =	vshll.u32 v0, $0x10;
	v0 =	vand.u32 $0xFFFF0000, v0  }
0x43: {  	[tilespmem:s25+$0x20] =	vst v0  }
0x44: {  	[tilespmem:s25+$0xFFFFFFE0] =	vst v1  }
0x45: {  	v0 =	vld [tilespmem:s26+$0x830];
	_ =	sdelay $0x4  }
.Ltmp0:
0x46: {  	v1 =	vshll.u32 v0, $0x10;
	v0 =	vand.u32 $0xFFFF0000, v0;
	(pc) =	sbr.rel @p0 .LBB2_4-.Ltmp0, $4  }
0x47: {  	[tilespmem:s25+$0xFFFFFFF0] =	vst v1  }
0x48: {  	s26 =	sshra.s32 s28, $0x2;
	[tilespmem:s25+$0x30] =	vst v0  }
0x49: {  	v0 =	vld [tilespmem:s26+$0x800]  }
0x4a: {  	s28 =	sadd.s32 $0x100, s28  }
0x4b: {  	_ =	sdelay $0x2  }
0x4c: {  	s25 =	sadd.s32 $0x80, s25;
	v1 =	vshll.u32 v0, $0x10  }
0x4d: {  	v0 =	vand.u32 $0xFFFF0000, v0;
	[tilespmem:s25+$0xFFFFFFC0] =	vst v1  }
0x4e: {  	[tilespmem:s25+$0x0] =	vst v0  }
0x4f: {  	v0 =	vld [tilespmem:s26+$0x810];
	_ =	sdelay $0x4  }
0x50: {  	v1 =	vshll.u32 v0, $0x10  }
0x51: {  	v0 =	vand.u32 $0xFFFF0000, v0;
	[tilespmem:s25+$0xFFFFFFD0] =	vst v1  }
0x52: {  	[tilespmem:s25+$0x10] =	vst v0  }
0x53: {  	v0 =	vld [tilespmem:s26+$0x820];
	_ =	sdelay $0x4  }
0x54: {  	v1 =	vand.u32 $0xFFFF0000, v0  }
0x55: {  	v0 =	vshll.u32 v0, $0x10;
	[tilespmem:s25+$0x20] =	vst v1  }
0x56: {  	[tilespmem:s25+$0xFFFFFFE0] =	vst v0  }
0x57: {  	v0 =	vld [tilespmem:s26+$0x830];
	_ =	sdelay $0x4  }
0x58: {  	v1 =	vshll.u32 v0, $0x10  }
0x59: {  	s24 =	sshrl.u32 s24, $0x2;
	v0 =	vand.u32 $0xFFFF0000, v0;
	[tilespmem:s25+$0xFFFFFFF0] =	vst v1  }
0x5a: {  	s24 =	sadd.s32 $0x400, s24;
	[tilespmem:s25+$0x30] =	vst v0  }
0x5b: {  	[spmem:s3] =	stream.indirect.scatter.add.f32 [tilespmem:s18], [sflag:$0x3], $0x80, s24, s14, $0xb8;
	[tilespmem:$0x1C400] =	vst v63  }
0x5c: {  	_ =	swait.ge [sflag:s12], $0x4000  }
0x5d: {  	[sflag:s12] =	ssyncset.done $0x0  }
0x5e: {  	s30 =	sshll.u32 s22, $0x1;
	[sflag:s12] =	ssyncadd.s32 $0xFFFFC000  }
0x5f: {  	s24 =	smin.u32 s30, $0x5;
	_ =	swait.ge [sflag:s19], $0x2000  }
0x60: {  	s24 =	sshll.u32 s24, $0x7;
	[sflag:s19] =	ssyncset.done $0x0  }
0x61: {  	s31 =	simm.s32 $0x0;
	s24 =	sadd.s32 $0x100, s24;
	[sflag:s19] =	ssyncadd.s32 $0xFFFFE000  }
0x62: {  	[tilespmem:s15], [sflag:$0x1] =	stream.indirect.gather [hbm4b:s1+s14], $0x40, s24, s14, $0xb8;
	[tilespmem:$0x1C400] =	vst v63  }
0x63: {  	v0 =	vld [tilespmem:s31+$0x2800];
	_ =	sdelay $0x4  }
0x64: {  	s24 =	simm.s32 $0x4840;
	v1 =	vshll.u32 v0, $0x10  }
0x65: {  	v0 =	vand.u32 $0xFFFF0000, v0;
	[tilespmem:s24+$0xFFFFFFC0] =	vst v1  }
0x66: {  	[tilespmem:s24+$0x0] =	vst v0  }
0x67: {  	v0 =	vld [tilespmem:s31+$0x2810];
	_ =	sdelay $0x4  }
0x68: {  	v1 =	vshll.u32 v0, $0x10  }
0x69: {  	v0 =	vand.u32 $0xFFFF0000, v0;
	[tilespmem:s24+$0xFFFFFFD0] =	vst v1  }
0x6a: {  	[tilespmem:s24+$0x10] =	vst v0  }
0x6b: {  	v0 =	vld [tilespmem:s31+$0x2820];
	_ =	sdelay $0x4  }
0x6c: {  	v1 =	vand.u32 $0xFFFF0000, v0  }
0x6d: {  	v0 =	vshll.u32 v0, $0x10;
	[tilespmem:s24+$0x20] =	vst v1  }
0x6e: {  	[tilespmem:s24+$0xFFFFFFE0] =	vst v0  }
0x6f: {  	v0 =	vld [tilespmem:s31+$0x2830];
	_ =	sdelay $0x4  }
0x70: {  	v1 =	vshll.u32 v0, $0x10  }
0x71: {  	v0 =	vand.u32 $0xFFFF0000, v0;
	[tilespmem:s24+$0xFFFFFFF0] =	vst v1  }
0x72: {  	s25 =	simm.s32 $0x40;
	[tilespmem:s24+$0x30] =	vst v0  }
0x73: {  	v0 =	vld [tilespmem:s25+$0x2800]  }
0x74: {  	s26 =	simm.s32 $0x200  }
.LBB2_6:
0x75: {  	p0 =	sne.s32 s26, $0x7F00;
	_ =	sdelay $0x2  }
0x76: {  	s24 =	sadd.s32 $0x80, s24;
	v1 =	vshll.u32 v0, $0x10  }
0x77: {  	v0 =	vand.u32 $0xFFFF0000, v0;
	[tilespmem:s24+$0xFFFFFFC0] =	vst v1  }
0x78: {  	[tilespmem:s24+$0x0] =	vst v0  }
0x79: {  	v0 =	vld [tilespmem:s25+$0x2810];
	_ =	sdelay $0x4  }
0x7a: {  	v1 =	vshll.u32 v0, $0x10  }
0x7b: {  	v0 =	vand.u32 $0xFFFF0000, v0;
	[tilespmem:s24+$0xFFFFFFD0] =	vst v1  }
0x7c: {  	[tilespmem:s24+$0x10] =	vst v0  }
0x7d: {  	v0 =	vld [tilespmem:s25+$0x2820];
	_ =	sdelay $0x4  }
0x7e: {  	v1 =	vshll.u32 v0, $0x10;
	v0 =	vand.u32 $0xFFFF0000, v0  }
0x7f: {  	[tilespmem:s24+$0x20] =	vst v0  }
0x80: {  	[tilespmem:s24+$0xFFFFFFE0] =	vst v1  }
0x81: {  	v0 =	vld [tilespmem:s25+$0x2830];
	_ =	sdelay $0x4  }
.Ltmp1:
0x82: {  	v1 =	vshll.u32 v0, $0x10;
	v0 =	vand.u32 $0xFFFF0000, v0;
	(pc) =	sbr.rel @p0 .LBB2_6-.Ltmp1, $4  }
0x83: {  	[tilespmem:s24+$0xFFFFFFF0] =	vst v1  }
0x84: {  	s25 =	sshra.s32 s26, $0x2;
	[tilespmem:s24+$0x30] =	vst v0  }
0x85: {  	v0 =	vld [tilespmem:s25+$0x2800]  }
0x86: {  	s26 =	sadd.s32 $0x100, s26  }
0x87: {  	_ =	sdelay $0x2  }
0x88: {  	s24 =	sadd.s32 $0x80, s24;
	v1 =	vshll.u32 v0, $0x10  }
0x89: {  	v60 =	vand.u32 $0xFFFF0000, v0;
	[tilespmem:s24+$0xFFFFFFC0] =	vst v1  }
0x8a: {  	[tilespmem:s24+$0x0] =	vst v60  }
0x8b: {  	v0 =	vld [tilespmem:s25+$0x2810];
	_ =	sdelay $0x4  }
0x8c: {  	v61 =	vshll.u32 v0, $0x10  }
0x8d: {  	v0 =	vand.u32 $0xFFFF0000, v0;
	[tilespmem:s24+$0xFFFFFFD0] =	vst v61  }
0x8e: {  	[tilespmem:s24+$0x10] =	vst v0  }
0x8f: {  	v0 =	vld [tilespmem:s25+$0x2820];
	_ =	sdelay $0x4  }
0x90: {  	v62 =	vand.u32 $0xFFFF0000, v0  }
0x91: {  	v0 =	vshll.u32 v0, $0x10;
	[tilespmem:s24+$0x20] =	vst v62  }
0x92: {  	[tilespmem:s24+$0xFFFFFFE0] =	vst v0  }
0x93: {  	v0 =	vld [tilespmem:s25+$0x2830];
	_ =	sdelay $0x4  }
0x94: {  	s22 =	sadd.s32 $0x1, s22;
	v63 =	vshll.u32 v0, $0x10  }
0x95: {  	p0 =	sne.s32 s22, $0x4;
	v0 =	vand.u32 $0xFFFF0000, v0;
	[tilespmem:s24+$0xFFFFFFF0] =	vst v63  }
.Ltmp2:
0x96: {  	s23 =	sadd.s32 $0x400, s23;
	[tilespmem:s24+$0x30] =	vst v0;
	(pc) =	sbr.rel @p0 .LBB2_3-.Ltmp2, $4  }
0x97: {  	[spmem:s3] =	stream.indirect.scatter.add.f32 [tilespmem:s18], [sflag:$0x3], $0x80, s23, s14, $0xb8;
	[tilespmem:$0x1C400] =	vst v63  }
0x98: {  	_ =	swait.ge [sflag:s12], $0x4000  }
0x99: {  	[sflag:s12] =	ssyncset.done $0x0  }
0x9a: {  	[sflag:s12] =	ssyncadd.s32 $0xFFFFC000  }
0x9b: {  	s21 =	sadd.s32 $0x1, s21  }
0x9c: {  	p0 =	sne.s32 s21, $0xA  }
.Ltmp3:
0x9d: {  	_ = 	snop;
	(pc) =	sbr.rel @p0 .LBB2_2-.Ltmp3, $4  }
0x9e: {  	_ = 	snop  }
0x9f: {  	_ =	swait.ge [sflag:s16], $0x2000  }
0xa0: {  	[sflag:s16] =	ssyncset.done $0x0  }
0xa1: {  	[sflag:s16] =	ssyncadd.s32 $0xFFFFE000  }
0xa2: {  	s4 =	sadd.s32 $0x1, s4  }
0xa3: {  	p0 =	sne.s32 s4, s10  }
.Ltmp4:
0xa4: {  	[bflag:$0x0] =	sbarrier.arrive $0xFFFF;
	(pc) =	sbr.rel @p0 .LBB2_1-.Ltmp4, $4  }
0xa5: {  	[hbm:s20], [sflag:s9] =	dma.local [spmem:s11], $0x2780  }
0xa6: {  	_ =	swait.ge [sflag:s12], $0x2780  }
0xa7: {  	[sflag:s12] =	ssyncset.done $0x0  }
0xa8: {  	[sflag:s12] =	ssyncadd.s32 $0xFFFFD880  }
0xa9: {  	_ =	sfence.sel $0x180000  }
0xaa: {  	[bflag:$0x0] =	sbarrier.arrive $0xFFFF  }
0xab: {  	p0 =	sne.s32 s2, $0x0;
	_ =	strace $0x90000047  }
0xac: {  	s0 =	sadd.s32 @!p0 $0x100000, s0;
	[bflag:$0x2] =	sbarrier.arrive $0xFFFF  }
0xad: {  	[sflag:s0] =	ssyncadd.tile.s32 @!p0 $0x1;
	_ =	shalt  }
.Lfunc_end2:
_tile_overlayer_lowered:
.L_overlay_start_2:
0xae: {  	(tag) =	ssettag $0x2  }
0xaf: {  	s0 =	rddreg [dreg:$0x0];
	s2 =	stileid.u32  }
0xb0: {  	s1 =	rddreg [dreg:$0x1];
	p0 =	sne.s32 s2, $0x0  }
0xb1: {  	s3 =	rddreg [dreg:$0x2];
	[bflag:$0x3] =	sbarrier.arrive $0xFFFF;
	s2 =	simm.s32 @!p0 $0x1C03  }
0xb2: {  	[timem:s3], [sflag:s2] =	dma.local @!p0 [hbm:s0], s1  }
0xb3: {  	s0 =	simm.s32 @!p0 $0x3  }
0xb4: {  	_ =	swait.ge @!p0 [sflag:s0], s1  }
0xb5: {  	s1 =	ssub.s32 @!p0 $0x0, s1;
	[sflag:s0] =	ssyncset.done @!p0 $0x0  }
0xb6: {  	[sflag:s0] =	ssyncadd.s32 @!p0 s1  }
0xb7: {  	[bflag:$0x3] =	sbarrier.arrive $0xFFFF  }
0xb8: {  	_ =	shalt  }

</sc_bundles>
